<compile_context>
chip_gen: v7x
topology: tpu7x:2x2x1
jax: 0.10.2.dev20260603
libtpu: 0.0.44.dev20260713+nightly
codegen_flags: <defaults>
</compile_context>

<pallas_src>
import functools

import jax
import jax.numpy as jnp
from jax import lax
from jax.experimental import pallas as pl
from jax.experimental.pallas import tpu as pltpu
from jax.experimental.pallas import tpu_sc as plsc

E = 320000
D = 128
N_NODES = 10000

NC = 2
NSUB = 16
NW = NC * NSUB
CH = 80
PW = CH * 128
NCHUNK = E // 128
CH_LAST = NCHUNK - (NW - 1) * CH
PW_LAST = CH_LAST * 128
BASE_LAST = (NW - 1) * PW
N_PAD = 10240
STR = N_PAD // NSUB

TC_BE = 16384
TC_GRID = (E + TC_BE - 1) // TC_BE


def _tc_body(x_ref, w_ref, b_ref, o_ref):
    xb = x_ref[...]
    w = w_ref[...]
    s = lax.dot_general(w, xb, (((1,), (1,)), ((), ())),
                        preferred_element_type=jnp.float32,
                        precision=lax.Precision.DEFAULT)
    s = s + b_ref[0, 0]
    y = jnp.where(s >= 0.0, s, 0.2 * s)
    o_ref[...] = jnp.exp(y)[0]


def _tc_scores(x2, wT, b2):
    return pl.pallas_call(
        _tc_body,
        grid=(TC_GRID,),
        in_specs=[
            pl.BlockSpec((TC_BE, D), lambda i: (i, 0)),
            pl.BlockSpec((1, D), lambda i: (0, 0)),
            pl.BlockSpec((1, 1), lambda i: (0, 0)),
        ],
        out_specs=pl.BlockSpec((TC_BE,), lambda i: (i,)),
        out_shape=jax.ShapeDtypeStruct((E,), jnp.float32),
    )(x2, wT, b2)


def _stage_slices_start(ex_hbm, seg_hbm, ex_v, seg_v, wid, sem):
    @pl.when(wid < NW - 1)
    def _():
        pltpu.async_copy(ex_hbm.at[pl.ds(wid * PW, PW)], ex_v, sem)

    @pl.when(wid == NW - 1)
    def _():
        pltpu.async_copy(ex_hbm.at[pl.ds(BASE_LAST, PW_LAST)],
                         ex_v.at[pl.ds(0, PW_LAST)], sem)


def _stage_slices_wait(ex_hbm, seg_hbm, ex_v, seg_v, wid, sem):
    @pl.when(wid < NW - 1)
    def _():
        pltpu.sync_copy(seg_hbm.at[pl.ds(wid * CH, CH)], seg_v)
        pltpu.make_async_copy(ex_hbm.at[pl.ds(0, PW)], ex_v, sem).wait()

    @pl.when(wid == NW - 1)
    def _():
        pltpu.sync_copy(seg_hbm.at[pl.ds((NW - 1) * CH, CH_LAST)],
                        seg_v.at[pl.ds(0, CH_LAST)])
        pltpu.make_async_copy(ex_hbm.at[pl.ds(0, PW_LAST)],
                              ex_v.at[pl.ds(0, PW_LAST)], sem).wait()


def _sc_scatter_body(ex_hbm, seg_hbm, p0_hbm, p1_hbm, ex_v, seg_v, zero_v,
                     denom_sh, sem):
    c = lax.axis_index("c")
    s = lax.axis_index("s")
    wid = c * NSUB + s
    _stage_slices_start(ex_hbm, seg_hbm, ex_v, seg_v, wid, sem)

    def zbody(i, q):
        zero_v[pl.ds(i * 16, 16)] = jnp.zeros((16,), jnp.float32)
        return q
    lax.fori_loop(0, STR // 16, zbody, 0)
    pltpu.sync_copy(zero_v, denom_sh.at[pl.ds(s * STR, STR)])

    _stage_slices_wait(ex_hbm, seg_hbm, ex_v, seg_v, wid, sem)
    plsc.subcore_barrier()

    def sbody(j, q):
        pltpu.async_copy(ex_v.at[pl.ds(j * 128, 128)],
                         denom_sh.at[seg_v.at[j]], sem, add=True)
        return q
    lax.fori_loop(0, CH_LAST, sbody, 0, unroll=4)

    @pl.when(wid < NW - 1)
    def _():
        lax.fori_loop(CH_LAST, CH, sbody, 0, unroll=4)
        pltpu.make_async_copy(ex_hbm.at[pl.ds(0, PW)], ex_v, sem).wait()

    @pl.when(wid == NW - 1)
    def _():
        pltpu.make_async_copy(ex_hbm.at[pl.ds(0, PW_LAST)],
                              ex_v.at[pl.ds(0, PW_LAST)], sem).wait()

    plsc.subcore_barrier()
    plsc.subcore_barrier()

    @pl.when(c == 0)
    def _():
        pltpu.sync_copy(denom_sh.at[pl.ds(s * STR, STR)],
                        p0_hbm.at[pl.ds(s * STR, STR)])

    @pl.when(c == 1)
    def _():
        pltpu.sync_copy(denom_sh.at[pl.ds(s * STR, STR)],
                        p1_hbm.at[pl.ds(s * STR, STR)])


_sc_scatter = functools.partial(
    pl.kernel,
    mesh=plsc.VectorSubcoreMesh(core_axis_name="c", subcore_axis_name="s"),
    out_type=(jax.ShapeDtypeStruct((N_PAD,), jnp.float32),
              jax.ShapeDtypeStruct((N_PAD,), jnp.float32)),
    scratch_types=[
        pltpu.VMEM((PW,), jnp.float32),
        pltpu.VMEM((CH, 128), jnp.int32),
        pltpu.VMEM((STR,), jnp.float32),
        pltpu.VMEM_SHARED((N_PAD,), jnp.float32),
        pltpu.SemaphoreType.DMA,
    ],
)(_sc_scatter_body)


def _sc_norm_body(ex_hbm, seg_hbm, p0_hbm, p1_hbm, out_hbm, ex_v, seg_v,
                  denv_v, pa_v, pb_v, denom_sh, sem):
    c = lax.axis_index("c")
    s = lax.axis_index("s")
    wid = c * NSUB + s
    _stage_slices_start(ex_hbm, seg_hbm, ex_v, seg_v, wid, sem)

    pltpu.sync_copy(p0_hbm.at[pl.ds(s * STR, STR)], pa_v)
    pltpu.sync_copy(p1_hbm.at[pl.ds(s * STR, STR)], pb_v)

    def cbody(i, q):
        pa_v[pl.ds(i * 16, 16)] = (pa_v[pl.ds(i * 16, 16)]
                                   + pb_v[pl.ds(i * 16, 16)])
        return q
    lax.fori_loop(0, STR // 16, cbody, 0, unroll=4)
    pltpu.sync_copy(pa_v, denom_sh.at[pl.ds(s * STR, STR)])

    _stage_slices_wait(ex_hbm, seg_hbm, ex_v, seg_v, wid, sem)
    plsc.subcore_barrier()
    plsc.subcore_barrier()

    def gbody(j, q):
        pltpu.async_copy(denom_sh.at[seg_v.at[j]], denv_v.at[j], sem)
        return q
    lax.fori_loop(0, CH_LAST, gbody, 0, unroll=4)

    @pl.when(wid < NW - 1)
    def _():
        lax.fori_loop(CH_LAST, CH, gbody, 0, unroll=4)
        pltpu.make_async_copy(ex_hbm.at[pl.ds(0, PW)], ex_v, sem).wait()

    @pl.when(wid == NW - 1)
    def _():
        pltpu.make_async_copy(ex_hbm.at[pl.ds(0, PW_LAST)],
                              ex_v.at[pl.ds(0, PW_LAST)], sem).wait()

    def dbody(q, acc):
        j = q // 8
        k = q % 8
        dv = denv_v[j, pl.ds(k * 16, 16)]
        ev = ex_v[pl.ds(q * 16, 16)]
        ex_v[pl.ds(q * 16, 16)] = ev / dv
        return acc
    lax.fori_loop(0, CH_LAST * 8, dbody, 0, unroll=4)

    @pl.when(wid < NW - 1)
    def _():
        lax.fori_loop(CH_LAST * 8, CH * 8, dbody, 0, unroll=4)
        pltpu.sync_copy(ex_v, out_hbm.at[pl.ds(wid * PW, PW)])

    @pl.when(wid == NW - 1)
    def _():
        pltpu.sync_copy(ex_v.at[pl.ds(0, PW_LAST)],
                        out_hbm.at[pl.ds(BASE_LAST, PW_LAST)])


_sc_norm = functools.partial(
    pl.kernel,
    mesh=plsc.VectorSubcoreMesh(core_axis_name="c", subcore_axis_name="s"),
    out_type=jax.ShapeDtypeStruct((E,), jnp.float32),
    scratch_types=[
        pltpu.VMEM((PW,), jnp.float32),
        pltpu.VMEM((CH, 128), jnp.int32),
        pltpu.VMEM((CH, 128), jnp.float32),
        pltpu.VMEM((STR,), jnp.float32),
        pltpu.VMEM((STR,), jnp.float32),
        pltpu.VMEM_SHARED((N_PAD,), jnp.float32),
        pltpu.SemaphoreType.DMA,
    ],
)(_sc_norm_body)


def kernel(input, idx, W, b):
    x2 = input.reshape(E, D)
    wT = W.reshape(1, D)
    b2 = b.reshape(1, 1)
    ex = _tc_scores(x2, wT, b2)
    seg2d = idx.reshape(NCHUNK, 128).astype(jnp.int32)
    p0, p1 = _sc_scatter(ex, seg2d)
    out = _sc_norm(ex, seg2d, p0, p1)
    return out.reshape(1, E, 1)

# --- scband reference (transcript-rebuilt; emitter-appended) ---
"""Pipeline reference for scband-attention-block-89034672046380 (READ-ONLY COPY).

The authoritative reference and input builder live on the scoring server;
editing this copy changes nothing except your own understanding.
"""

import jax, jax.numpy as jnp
import numpy as np

N_NODES = 10000
E = 320000
D = 128


def setup_inputs(seed: int = 0) -> dict:
    key = jax.random.key(seed)
    k1, k2, k3 = jax.random.split(key, 3)
    inp = jax.random.normal(k1, (1, E, D), dtype=jnp.float32)
    idx = jnp.sort(jax.random.randint(k2, (1, E, 1), 0, N_NODES, dtype=jnp.int32), axis=1)
    W = jax.random.normal(k3, (D, 1), dtype=jnp.float32) * 0.05
    b = jnp.zeros((1,), dtype=jnp.float32)
    return {"input": inp, "idx": idx, "W": W, "b": b}


def reference(input, idx, W, b):
    # nn.LazyLinear(1): [1, E, D] @ [D, 1] + b -> [1, E, 1]
    x = jnp.einsum('bed,do->beo', input, W) + b
    # LeakyReLU(negative_slope=0.2)
    x = jax.nn.leaky_relu(x, negative_slope=0.2)
    # torch_scatter scatter_softmax along dim=1 with segment ids idx
    flat = x[0, :, 0]                  # [E]
    seg = idx[0, :, 0].astype(jnp.int32)  # [E]
    seg_max = jax.ops.segment_max(flat, seg, num_segments=N_NODES)
    seg_max = jax.lax.stop_gradient(seg_max)
    shifted = flat - seg_max[seg]
    ex = jnp.exp(shifted)
    denom = jax.ops.segment_sum(ex, seg, num_segments=N_NODES)
    out = ex / denom[seg]
    return out.reshape(1, E, 1)

if __name__ == "__main__":
    import jax
    _d = setup_inputs()
    print(jax.jit(kernel)(*tuple(_d.values())))

</pallas_src>

<mosaic_0001>
#map = affine_map<(d0, d1) -> (0)>
#map1 = affine_map<(d0, d1) -> (0, 0)>
module attributes {stable_mosaic.version = 14 : i64} {
  func.func @_sc_scatter_body(%arg0: i32, %arg1: i32, %arg2: memref<320000xf32, #tpu.memory_space<hbm>>, %arg3: memref<2500x128xi32, #tpu.memory_space<hbm>>, %arg4: memref<10240xf32, #tpu.memory_space<hbm>>, %arg5: memref<10240xf32, #tpu.memory_space<hbm>>, %arg6: memref<10240xf32, #tpu.memory_space<vmem>>, %arg7: memref<80x128xi32, #tpu.memory_space<vmem>>, %arg8: memref<640xf32, #tpu.memory_space<vmem>>, %arg9: memref<10240xf32, #tpu.memory_space<vmem_shared>>, %arg10: memref<!tpu.dma_semaphore, #tpu.memory_space<semaphore_mem>>) attributes {dimension_semantics = [#tpu.dimension_semantics<core_parallel>, #tpu.dimension_semantics<subcore_parallel>], iteration_bounds = array<i64: 2, 16>, scalar_prefetch = 0 : i64, scratch_operands = 5 : i64, tpu.core_type = #tpu.core_type<sc_vector_subcore>, window_params = [{transform_indices = #map}, {transform_indices = #map1}, {transform_indices = #map}, {transform_indices = #map}]} {
    %mul3A = arith.constant 16 : i32
    %mul3A_0 = arith.muli %arg0, %mul3A : i32
    %add3A = arith.addi %mul3A_0, %arg1 : i32
    %lt3A = arith.constant 31 : i32
    %lt3A_1 = arith.cmpi slt, %add3A, %lt3A : i32
    %convert_element_type3A = arith.extui %lt3A_1 : i1 to i32
    %cond3A = arith.constant 0 : i32
    %cond3A_2 = arith.cmpi ne, %convert_element_type3A, %cond3A : i32
    scf.if %cond3A_2 {
      %mul3A_52 = arith.constant 10240 : i32
      %mul3A_53 = arith.muli %add3A, %mul3A_52 : i32
      %dma_start3A = tpu.memref_slice %arg2[%mul3A_53] : memref<320000xf32, #tpu.memory_space<hbm>> -> memref<10240xf32, #tpu.memory_space<hbm>>
      %dma_start3A_54 = tpu.memref_slice %arg2[%mul3A_53] : memref<320000xf32, #tpu.memory_space<hbm>> -> memref<10240xf32, #tpu.memory_space<hbm>>
      tpu.enqueue_dma source(%dma_start3A_54 : memref<10240xf32, #tpu.memory_space<hbm>>) target(%arg6 : memref<10240xf32, #tpu.memory_space<vmem>>) target_semaphore(%arg10 : memref<!tpu.dma_semaphore, #tpu.memory_space<semaphore_mem>>)
    } else {
    }
    %eq3A = arith.constant 31 : i32
    %eq3A_3 = arith.cmpi eq, %add3A, %eq3A : i32
    %convert_element_type3A_4 = arith.extui %eq3A_3 : i1 to i32
    %cond3A_5 = arith.constant 0 : i32
    %cond3A_6 = arith.cmpi ne, %convert_element_type3A_4, %cond3A_5 : i32
    scf.if %cond3A_6 {
      %dma_start3A = arith.constant 0 : i32
      %dma_start3A_52 = tpu.memref_slice %arg6[%dma_start3A] : memref<10240xf32, #tpu.memory_space<vmem>> -> memref<2560xf32, #tpu.memory_space<vmem>>
      %dma_start3A_53 = arith.constant 317440 : i32
      %dma_start3A_54 = tpu.memref_slice %arg2[%dma_start3A_53] : memref<320000xf32, #tpu.memory_space<hbm>> -> memref<2560xf32, #tpu.memory_space<hbm>>
      %dma_start3A_55 = arith.constant 0 : i32
      %dma_start3A_56 = tpu.memref_slice %arg6[%dma_start3A_55] : memref<10240xf32, #tpu.memory_space<vmem>> -> memref<2560xf32, #tpu.memory_space<vmem>>
      %dma_start3A_57 = arith.constant 317440 : i32
      %dma_start3A_58 = tpu.memref_slice %arg2[%dma_start3A_57] : memref<320000xf32, #tpu.memory_space<hbm>> -> memref<2560xf32, #tpu.memory_space<hbm>>
      tpu.enqueue_dma source(%dma_start3A_58 : memref<2560xf32, #tpu.memory_space<hbm>>) target(%dma_start3A_56 : memref<2560xf32, #tpu.memory_space<vmem>>) target_semaphore(%arg10 : memref<!tpu.dma_semaphore, #tpu.memory_space<semaphore_mem>>)
    } else {
    }
    %scan3A = arith.constant 0 : i32
    %scan3A_7 = arith.constant 0 : i32
    %scan3A_8 = arith.constant 40 : i32
    %scan3A_9 = arith.addi %scan3A_7, %scan3A_8 : i32
    %scan3A_10 = arith.constant 1 : i32
    scf.for %scan3A_52 = %scan3A_7 to %scan3A_9 step %scan3A_10  : i32 {
      %broadcast_in_dim3A = arith.constant 0.000000e+00 : f32
      %broadcast_in_dim3A_53 = vector.broadcast %broadcast_in_dim3A : f32 to vector<16xf32>
      %mul3A_54 = arith.constant 16 : i32
      %mul3A_55 = arith.muli %scan3A_52, %mul3A_54 : i32
      %swap3A = arith.index_cast %mul3A_55 : i32 to index
      %swap3A_56 = tpu.vector_load %arg8[%swap3A] {strides = array<i32>} : memref<640xf32, #tpu.memory_space<vmem>>, vector<16xf32>,
      %swap3A_57 = vector.shape_cast %swap3A_56 : vector<16xf32> to vector<16xf32>
      %swap3A_58 = vector.shape_cast %broadcast_in_dim3A_53 : vector<16xf32> to vector<16xf32>
      tpu.vector_store %arg8[%swap3A], %swap3A_58 {strides = array<i32>} : memref<640xf32, #tpu.memory_space<vmem>>, vector<16xf32>,
    }
    %scan3A_11 = arith.constant 40 : i32
    %mul3A_12 = arith.constant 640 : i32
    %mul3A_13 = arith.muli %arg1, %mul3A_12 : i32
    "tpu.region"() ({
      %run_scoped3A = tpu.sem_alloc : memref<!tpu.dma_semaphore, #tpu.memory_space<semaphore_mem>>
      %dma_start3A = tpu.memref_slice %arg9[%mul3A_13] : memref<10240xf32, #tpu.memory_space<vmem_shared>> -> memref<640xf32, #tpu.memory_space<vmem_shared>>
      %dma_start3A_52 = tpu.memref_slice %arg9[%mul3A_13] : memref<10240xf32, #tpu.memory_space<vmem_shared>> -> memref<640xf32, #tpu.memory_space<vmem_shared>>
      tpu.enqueue_dma source(%arg8 : memref<640xf32, #tpu.memory_space<vmem>>) target(%dma_start3A_52 : memref<640xf32, #tpu.memory_space<vmem_shared>>) target_semaphore(%run_scoped3A : memref<!tpu.dma_semaphore, #tpu.memory_space<semaphore_mem>>)
      %dma_wait3A = tpu.memref_slice %arg9[%mul3A_13] : memref<10240xf32, #tpu.memory_space<vmem_shared>> -> memref<640xf32, #tpu.memory_space<vmem_shared>>
      %dma_wait3A_53 = tpu.memref_slice %arg9[%mul3A_13] : memref<10240xf32, #tpu.memory_space<vmem_shared>> -> memref<640xf32, #tpu.memory_space<vmem_shared>>
      tpu.wait_dma2 semaphore(%run_scoped3A : memref<!tpu.dma_semaphore, #tpu.memory_space<semaphore_mem>>) src(%arg8 : memref<640xf32, #tpu.memory_space<vmem>>) dst(%dma_wait3A_53 : memref<640xf32, #tpu.memory_space<vmem_shared>>)
      tpu.yield
    }) : () -> ()
    %lt3A_14 = arith.constant 31 : i32
    %lt3A_15 = arith.cmpi slt, %add3A, %lt3A_14 : i32
    %convert_element_type3A_16 = arith.extui %lt3A_15 : i1 to i32
    %cond3A_17 = arith.constant 0 : i32
    %cond3A_18 = arith.cmpi ne, %convert_element_type3A_16, %cond3A_17 : i32
    scf.if %cond3A_18 {
      %mul3A_52 = arith.constant 80 : i32
      %mul3A_53 = arith.muli %add3A, %mul3A_52 : i32
      "tpu.region"() ({
        %run_scoped3A = tpu.sem_alloc : memref<!tpu.dma_semaphore, #tpu.memory_space<semaphore_mem>>
        %dma_start3A = arith.constant 0 : i32
        %dma_start3A_57 = tpu.memref_slice %arg3[%mul3A_53, %dma_start3A] : memref<2500x128xi32, #tpu.memory_space<hbm>> -> memref<80x128xi32, #tpu.memory_space<hbm>>
        %dma_start3A_58 = arith.constant 0 : i32
        %dma_start3A_59 = tpu.memref_slice %arg3[%mul3A_53, %dma_start3A_58] : memref<2500x128xi32, #tpu.memory_space<hbm>> -> memref<80x128xi32, #tpu.memory_space<hbm>>
        tpu.enqueue_dma source(%dma_start3A_59 : memref<80x128xi32, #tpu.memory_space<hbm>>) target(%arg7 : memref<80x128xi32, #tpu.memory_space<vmem>>) target_semaphore(%run_scoped3A : memref<!tpu.dma_semaphore, #tpu.memory_space<semaphore_mem>>)
        %dma_wait3A_60 = arith.constant 0 : i32
        %dma_wait3A_61 = tpu.memref_slice %arg3[%mul3A_53, %dma_wait3A_60] : memref<2500x128xi32, #tpu.memory_space<hbm>> -> memref<80x128xi32, #tpu.memory_space<hbm>>
        %dma_wait3A_62 = arith.constant 0 : i32
        %dma_wait3A_63 = tpu.memref_slice %arg3[%mul3A_53, %dma_wait3A_62] : memref<2500x128xi32, #tpu.memory_space<hbm>> -> memref<80x128xi32, #tpu.memory_space<hbm>>
        tpu.wait_dma2 semaphore(%run_scoped3A : memref<!tpu.dma_semaphore, #tpu.memory_space<semaphore_mem>>) src(%dma_wait3A_63 : memref<80x128xi32, #tpu.memory_space<hbm>>) dst(%arg7 : memref<80x128xi32, #tpu.memory_space<vmem>>)
        tpu.yield
      }) : () -> ()
      %dma_wait3A = arith.constant 0 : i32
      %dma_wait3A_54 = tpu.memref_slice %arg2[%dma_wait3A] : memref<320000xf32, #tpu.memory_space<hbm>> -> memref<10240xf32, #tpu.memory_space<hbm>>
      %dma_wait3A_55 = arith.constant 0 : i32
      %dma_wait3A_56 = tpu.memref_slice %arg2[%dma_wait3A_55] : memref<320000xf32, #tpu.memory_space<hbm>> -> memref<10240xf32, #tpu.memory_space<hbm>>
      tpu.wait_dma2 semaphore(%arg10 : memref<!tpu.dma_semaphore, #tpu.memory_space<semaphore_mem>>) src(%dma_wait3A_56 : memref<10240xf32, #tpu.memory_space<hbm>>) dst(%arg6 : memref<10240xf32, #tpu.memory_space<vmem>>)
    } else {
    }
    %eq3A_19 = arith.constant 31 : i32
    %eq3A_20 = arith.cmpi eq, %add3A, %eq3A_19 : i32
    %convert_element_type3A_21 = arith.extui %eq3A_20 : i1 to i32
    %cond3A_22 = arith.constant 0 : i32
    %cond3A_23 = arith.cmpi ne, %convert_element_type3A_21, %cond3A_22 : i32
    scf.if %cond3A_23 {
      "tpu.region"() ({
        %run_scoped3A = tpu.sem_alloc : memref<!tpu.dma_semaphore, #tpu.memory_space<semaphore_mem>>
        %dma_start3A = arith.constant 0 : i32
        %dma_start3A_59 = arith.constant 0 : i32
        %dma_start3A_60 = tpu.memref_slice %arg7[%dma_start3A, %dma_start3A_59] : memref<80x128xi32, #tpu.memory_space<vmem>> -> memref<20x128xi32, #tpu.memory_space<vmem>>
        %dma_start3A_61 = arith.constant 2480 : i32
        %dma_start3A_62 = arith.constant 0 : i32
        %dma_start3A_63 = tpu.memref_slice %arg3[%dma_start3A_61, %dma_start3A_62] : memref<2500x128xi32, #tpu.memory_space<hbm>> -> memref<20x128xi32, #tpu.memory_space<hbm>>
        %dma_start3A_64 = arith.constant 0 : i32
        %dma_start3A_65 = arith.constant 0 : i32
        %dma_start3A_66 = tpu.memref_slice %arg7[%dma_start3A_64, %dma_start3A_65] : memref<80x128xi32, #tpu.memory_space<vmem>> -> memref<20x128xi32, #tpu.memory_space<vmem>>
        %dma_start3A_67 = arith.constant 2480 : i32
        %dma_start3A_68 = arith.constant 0 : i32
        %dma_start3A_69 = tpu.memref_slice %arg3[%dma_start3A_67, %dma_start3A_68] : memref<2500x128xi32, #tpu.memory_space<hbm>> -> memref<20x128xi32, #tpu.memory_space<hbm>>
        tpu.enqueue_dma source(%dma_start3A_69 : memref<20x128xi32, #tpu.memory_space<hbm>>) target(%dma_start3A_66 : memref<20x128xi32, #tpu.memory_space<vmem>>) target_semaphore(%run_scoped3A : memref<!tpu.dma_semaphore, #tpu.memory_space<semaphore_mem>>)
        %dma_wait3A_70 = arith.constant 0 : i32
        %dma_wait3A_71 = arith.constant 0 : i32
        %dma_wait3A_72 = tpu.memref_slice %arg7[%dma_wait3A_70, %dma_wait3A_71] : memref<80x128xi32, #tpu.memory_space<vmem>> -> memref<20x128xi32, #tpu.memory_space<vmem>>
        %dma_wait3A_73 = arith.constant 2480 : i32
        %dma_wait3A_74 = arith.constant 0 : i32
        %dma_wait3A_75 = tpu.memref_slice %arg3[%dma_wait3A_73, %dma_wait3A_74] : memref<2500x128xi32, #tpu.memory_space<hbm>> -> memref<20x128xi32, #tpu.memory_space<hbm>>
        %dma_wait3A_76 = arith.constant 0 : i32
        %dma_wait3A_77 = arith.constant 0 : i32
        %dma_wait3A_78 = tpu.memref_slice %arg7[%dma_wait3A_76, %dma_wait3A_77] : memref<80x128xi32, #tpu.memory_space<vmem>> -> memref<20x128xi32, #tpu.memory_space<vmem>>
        %dma_wait3A_79 = arith.constant 2480 : i32
        %dma_wait3A_80 = arith.constant 0 : i32
        %dma_wait3A_81 = tpu.memref_slice %arg3[%dma_wait3A_79, %dma_wait3A_80] : memref<2500x128xi32, #tpu.memory_space<hbm>> -> memref<20x128xi32, #tpu.memory_space<hbm>>
        tpu.wait_dma2 semaphore(%run_scoped3A : memref<!tpu.dma_semaphore, #tpu.memory_space<semaphore_mem>>) src(%dma_wait3A_81 : memref<20x128xi32, #tpu.memory_space<hbm>>) dst(%dma_wait3A_78 : memref<20x128xi32, #tpu.memory_space<vmem>>)
        tpu.yield
      }) : () -> ()
      %dma_wait3A = arith.constant 0 : i32
      %dma_wait3A_52 = tpu.memref_slice %arg6[%dma_wait3A] : memref<10240xf32, #tpu.memory_space<vmem>> -> memref<2560xf32, #tpu.memory_space<vmem>>
      %dma_wait3A_53 = arith.constant 0 : i32
      %dma_wait3A_54 = tpu.memref_slice %arg2[%dma_wait3A_53] : memref<320000xf32, #tpu.memory_space<hbm>> -> memref<2560xf32, #tpu.memory_space<hbm>>
      %dma_wait3A_55 = arith.constant 0 : i32
      %dma_wait3A_56 = tpu.memref_slice %arg6[%dma_wait3A_55] : memref<10240xf32, #tpu.memory_space<vmem>> -> memref<2560xf32, #tpu.memory_space<vmem>>
      %dma_wait3A_57 = arith.constant 0 : i32
      %dma_wait3A_58 = tpu.memref_slice %arg2[%dma_wait3A_57] : memref<320000xf32, #tpu.memory_space<hbm>> -> memref<2560xf32, #tpu.memory_space<hbm>>
      tpu.wait_dma2 semaphore(%arg10 : memref<!tpu.dma_semaphore, #tpu.memory_space<semaphore_mem>>) src(%dma_wait3A_58 : memref<2560xf32, #tpu.memory_space<hbm>>) dst(%dma_wait3A_56 : memref<2560xf32, #tpu.memory_space<vmem>>)
    } else {
    }
    %barrier3A = arith.constant 0 : index
    tpu.barrier barrier_id(%barrier3A)
    %scan3A_24 = arith.constant 0 : i32
    %scan3A_25 = arith.constant 0 : i32
    %scan3A_26 = arith.constant 20 : i32
    %scan3A_27 = arith.addi %scan3A_25, %scan3A_26 : i32
    %scan3A_28 = arith.constant 4 : i32
    scf.for %scan3A_52 = %scan3A_25 to %scan3A_27 step %scan3A_28  : i32 {
      %mul3A_53 = arith.constant 128 : i32
      %mul3A_54 = arith.muli %scan3A_52, %mul3A_53 : i32
      %dma_start3A = tpu.memref_slice %arg6[%mul3A_54] : memref<10240xf32, #tpu.memory_space<vmem>> -> memref<128xf32, #tpu.memory_space<vmem>>
      %dma_start3A_55 = arith.constant 0 : i32
      %dma_start3A_56 = tpu.memref_slice %arg7[%scan3A_52, %dma_start3A_55] : memref<80x128xi32, #tpu.memory_space<vmem>> -> memref<1x128xi32, #tpu.memory_space<vmem>>
      %dma_start3A_57 = tpu.memref_squeeze %dma_start3A_56 : memref<1x128xi32, #tpu.memory_space<vmem>> -> memref<128xi32, #tpu.memory_space<vmem>>
      %dma_start3A_58 = arith.constant 0 : i32
      %dma_start3A_59 = tpu.memref_slice %arg9[%dma_start3A_58] : memref<10240xf32, #tpu.memory_space<vmem_shared>> -> memref<10240xf32, #tpu.memory_space<vmem_shared>>
      tpu.enqueue_indirect_dma source(%dma_start3A : memref<128xf32, #tpu.memory_space<vmem>>) target(%dma_start3A_59 : memref<10240xf32, #tpu.memory_space<vmem_shared>>) offsets(%dma_start3A_57 : memref<128xi32, #tpu.memory_space<vmem>>) semaphore(%arg10 : memref<!tpu.dma_semaphore, #tpu.memory_space<semaphore_mem>>) {add = true}
      %scan3A_60 = arith.constant 1 : i32
      %scan3A_61 = arith.addi %scan3A_52, %scan3A_60 : i32
      %mul3A_62 = arith.constant 128 : i32
      %mul3A_63 = arith.muli %scan3A_61, %mul3A_62 : i32
      %dma_start3A_64 = tpu.memref_slice %arg6[%mul3A_63] : memref<10240xf32, #tpu.memory_space<vmem>> -> memref<128xf32, #tpu.memory_space<vmem>>
      %dma_start3A_65 = arith.constant 0 : i32
      %dma_start3A_66 = tpu.memref_slice %arg7[%scan3A_61, %dma_start3A_65] : memref<80x128xi32, #tpu.memory_space<vmem>> -> memref<1x128xi32, #tpu.memory_space<vmem>>
      %dma_start3A_67 = tpu.memref_squeeze %dma_start3A_66 : memref<1x128xi32, #tpu.memory_space<vmem>> -> memref<128xi32, #tpu.memory_space<vmem>>
      %dma_start3A_68 = arith.constant 0 : i32
      %dma_start3A_69 = tpu.memref_slice %arg9[%dma_start3A_68] : memref<10240xf32, #tpu.memory_space<vmem_shared>> -> memref<10240xf32, #tpu.memory_space<vmem_shared>>
      tpu.enqueue_indirect_dma source(%dma_start3A_64 : memref<128xf32, #tpu.memory_space<vmem>>) target(%dma_start3A_69 : memref<10240xf32, #tpu.memory_space<vmem_shared>>) offsets(%dma_start3A_67 : memref<128xi32, #tpu.memory_space<vmem>>) semaphore(%arg10 : memref<!tpu.dma_semaphore, #tpu.memory_space<semaphore_mem>>) {add = true}
      %scan3A_70 = arith.constant 2 : i32
      %scan3A_71 = arith.addi %scan3A_52, %scan3A_70 : i32
      %mul3A_72 = arith.constant 128 : i32
      %mul3A_73 = arith.muli %scan3A_71, %mul3A_72 : i32
      %dma_start3A_74 = tpu.memref_slice %arg6[%mul3A_73] : memref<10240xf32, #tpu.memory_space<vmem>> -> memref<128xf32, #tpu.memory_space<vmem>>
      %dma_start3A_75 = arith.constant 0 : i32
      %dma_start3A_76 = tpu.memref_slice %arg7[%scan3A_71, %dma_start3A_75] : memref<80x128xi32, #tpu.memory_space<vmem>> -> memref<1x128xi32, #tpu.memory_space<vmem>>
      %dma_start3A_77 = tpu.memref_squeeze %dma_start3A_76 : memref<1x128xi32, #tpu.memory_space<vmem>> -> memref<128xi32, #tpu.memory_space<vmem>>
      %dma_start3A_78 = arith.constant 0 : i32
      %dma_start3A_79 = tpu.memref_slice %arg9[%dma_start3A_78] : memref<10240xf32, #tpu.memory_space<vmem_shared>> -> memref<10240xf32, #tpu.memory_space<vmem_shared>>
      tpu.enqueue_indirect_dma source(%dma_start3A_74 : memref<128xf32, #tpu.memory_space<vmem>>) target(%dma_start3A_79 : memref<10240xf32, #tpu.memory_space<vmem_shared>>) offsets(%dma_start3A_77 : memref<128xi32, #tpu.memory_space<vmem>>) semaphore(%arg10 : memref<!tpu.dma_semaphore, #tpu.memory_space<semaphore_mem>>) {add = true}
      %scan3A_80 = arith.constant 3 : i32
      %scan3A_81 = arith.addi %scan3A_52, %scan3A_80 : i32
      %mul3A_82 = arith.constant 128 : i32
      %mul3A_83 = arith.muli %scan3A_81, %mul3A_82 : i32
      %dma_start3A_84 = tpu.memref_slice %arg6[%mul3A_83] : memref<10240xf32, #tpu.memory_space<vmem>> -> memref<128xf32, #tpu.memory_space<vmem>>
      %dma_start3A_85 = arith.constant 0 : i32
      %dma_start3A_86 = tpu.memref_slice %arg7[%scan3A_81, %dma_start3A_85] : memref<80x128xi32, #tpu.memory_space<vmem>> -> memref<1x128xi32, #tpu.memory_space<vmem>>
      %dma_start3A_87 = tpu.memref_squeeze %dma_start3A_86 : memref<1x128xi32, #tpu.memory_space<vmem>> -> memref<128xi32, #tpu.memory_space<vmem>>
      %dma_start3A_88 = arith.constant 0 : i32
      %dma_start3A_89 = tpu.memref_slice %arg9[%dma_start3A_88] : memref<10240xf32, #tpu.memory_space<vmem_shared>> -> memref<10240xf32, #tpu.memory_space<vmem_shared>>
      tpu.enqueue_indirect_dma source(%dma_start3A_84 : memref<128xf32, #tpu.memory_space<vmem>>) target(%dma_start3A_89 : memref<10240xf32, #tpu.memory_space<vmem_shared>>) offsets(%dma_start3A_87 : memref<128xi32, #tpu.memory_space<vmem>>) semaphore(%arg10 : memref<!tpu.dma_semaphore, #tpu.memory_space<semaphore_mem>>) {add = true}
    }
    %scan3A_29 = arith.constant 20 : i32
    %lt3A_30 = arith.constant 31 : i32
    %lt3A_31 = arith.cmpi slt, %add3A, %lt3A_30 : i32
    %convert_element_type3A_32 = arith.extui %lt3A_31 : i1 to i32
    %cond3A_33 = arith.constant 0 : i32
    %cond3A_34 = arith.cmpi ne, %convert_element_type3A_32, %cond3A_33 : i32
    scf.if %cond3A_34 {
      %scan3A_52 = arith.constant 0 : i32
      %scan3A_53 = arith.constant 20 : i32
      %scan3A_54 = arith.constant 60 : i32
      %scan3A_55 = arith.addi %scan3A_53, %scan3A_54 : i32
      %scan3A_56 = arith.constant 4 : i32
      scf.for %scan3A_61 = %scan3A_53 to %scan3A_55 step %scan3A_56  : i32 {
        %mul3A_62 = arith.constant 128 : i32
        %mul3A_63 = arith.muli %scan3A_61, %mul3A_62 : i32
        %dma_start3A = tpu.memref_slice %arg6[%mul3A_63] : memref<10240xf32, #tpu.memory_space<vmem>> -> memref<128xf32, #tpu.memory_space<vmem>>
        %dma_start3A_64 = arith.constant 0 : i32
        %dma_start3A_65 = tpu.memref_slice %arg7[%scan3A_61, %dma_start3A_64] : memref<80x128xi32, #tpu.memory_space<vmem>> -> memref<1x128xi32, #tpu.memory_space<vmem>>
        %dma_start3A_66 = tpu.memref_squeeze %dma_start3A_65 : memref<1x128xi32, #tpu.memory_space<vmem>> -> memref<128xi32, #tpu.memory_space<vmem>>
        %dma_start3A_67 = arith.constant 0 : i32
        %dma_start3A_68 = tpu.memref_slice %arg9[%dma_start3A_67] : memref<10240xf32, #tpu.memory_space<vmem_shared>> -> memref<10240xf32, #tpu.memory_space<vmem_shared>>
        tpu.enqueue_indirect_dma source(%dma_start3A : memref<128xf32, #tpu.memory_space<vmem>>) target(%dma_start3A_68 : memref<10240xf32, #tpu.memory_space<vmem_shared>>) offsets(%dma_start3A_66 : memref<128xi32, #tpu.memory_space<vmem>>) semaphore(%arg10 : memref<!tpu.dma_semaphore, #tpu.memory_space<semaphore_mem>>) {add = true}
        %scan3A_69 = arith.constant 1 : i32
        %scan3A_70 = arith.addi %scan3A_61, %scan3A_69 : i32
        %mul3A_71 = arith.constant 128 : i32
        %mul3A_72 = arith.muli %scan3A_70, %mul3A_71 : i32
        %dma_start3A_73 = tpu.memref_slice %arg6[%mul3A_72] : memref<10240xf32, #tpu.memory_space<vmem>> -> memref<128xf32, #tpu.memory_space<vmem>>
        %dma_start3A_74 = arith.constant 0 : i32
        %dma_start3A_75 = tpu.memref_slice %arg7[%scan3A_70, %dma_start3A_74] : memref<80x128xi32, #tpu.memory_space<vmem>> -> memref<1x128xi32, #tpu.memory_space<vmem>>
        %dma_start3A_76 = tpu.memref_squeeze %dma_start3A_75 : memref<1x128xi32, #tpu.memory_space<vmem>> -> memref<128xi32, #tpu.memory_space<vmem>>
        %dma_start3A_77 = arith.constant 0 : i32
        %dma_start3A_78 = tpu.memref_slice %arg9[%dma_start3A_77] : memref<10240xf32, #tpu.memory_space<vmem_shared>> -> memref<10240xf32, #tpu.memory_space<vmem_shared>>
        tpu.enqueue_indirect_dma source(%dma_start3A_73 : memref<128xf32, #tpu.memory_space<vmem>>) target(%dma_start3A_78 : memref<10240xf32, #tpu.memory_space<vmem_shared>>) offsets(%dma_start3A_76 : memref<128xi32, #tpu.memory_space<vmem>>) semaphore(%arg10 : memref<!tpu.dma_semaphore, #tpu.memory_space<semaphore_mem>>) {add = true}
        %scan3A_79 = arith.constant 2 : i32
        %scan3A_80 = arith.addi %scan3A_61, %scan3A_79 : i32
        %mul3A_81 = arith.constant 128 : i32
        %mul3A_82 = arith.muli %scan3A_80, %mul3A_81 : i32
        %dma_start3A_83 = tpu.memref_slice %arg6[%mul3A_82] : memref<10240xf32, #tpu.memory_space<vmem>> -> memref<128xf32, #tpu.memory_space<vmem>>
        %dma_start3A_84 = arith.constant 0 : i32
        %dma_start3A_85 = tpu.memref_slice %arg7[%scan3A_80, %dma_start3A_84] : memref<80x128xi32, #tpu.memory_space<vmem>> -> memref<1x128xi32, #tpu.memory_space<vmem>>
        %dma_start3A_86 = tpu.memref_squeeze %dma_start3A_85 : memref<1x128xi32, #tpu.memory_space<vmem>> -> memref<128xi32, #tpu.memory_space<vmem>>
        %dma_start3A_87 = arith.constant 0 : i32
        %dma_start3A_88 = tpu.memref_slice %arg9[%dma_start3A_87] : memref<10240xf32, #tpu.memory_space<vmem_shared>> -> memref<10240xf32, #tpu.memory_space<vmem_shared>>
        tpu.enqueue_indirect_dma source(%dma_start3A_83 : memref<128xf32, #tpu.memory_space<vmem>>) target(%dma_start3A_88 : memref<10240xf32, #tpu.memory_space<vmem_shared>>) offsets(%dma_start3A_86 : memref<128xi32, #tpu.memory_space<vmem>>) semaphore(%arg10 : memref<!tpu.dma_semaphore, #tpu.memory_space<semaphore_mem>>) {add = true}
        %scan3A_89 = arith.constant 3 : i32
        %scan3A_90 = arith.addi %scan3A_61, %scan3A_89 : i32
        %mul3A_91 = arith.constant 128 : i32
        %mul3A_92 = arith.muli %scan3A_90, %mul3A_91 : i32
        %dma_start3A_93 = tpu.memref_slice %arg6[%mul3A_92] : memref<10240xf32, #tpu.memory_space<vmem>> -> memref<128xf32, #tpu.memory_space<vmem>>
        %dma_start3A_94 = arith.constant 0 : i32
        %dma_start3A_95 = tpu.memref_slice %arg7[%scan3A_90, %dma_start3A_94] : memref<80x128xi32, #tpu.memory_space<vmem>> -> memref<1x128xi32, #tpu.memory_space<vmem>>
        %dma_start3A_96 = tpu.memref_squeeze %dma_start3A_95 : memref<1x128xi32, #tpu.memory_space<vmem>> -> memref<128xi32, #tpu.memory_space<vmem>>
        %dma_start3A_97 = arith.constant 0 : i32
        %dma_start3A_98 = tpu.memref_slice %arg9[%dma_start3A_97] : memref<10240xf32, #tpu.memory_space<vmem_shared>> -> memref<10240xf32, #tpu.memory_space<vmem_shared>>
        tpu.enqueue_indirect_dma source(%dma_start3A_93 : memref<128xf32, #tpu.memory_space<vmem>>) target(%dma_start3A_98 : memref<10240xf32, #tpu.memory_space<vmem_shared>>) offsets(%dma_start3A_96 : memref<128xi32, #tpu.memory_space<vmem>>) semaphore(%arg10 : memref<!tpu.dma_semaphore, #tpu.memory_space<semaphore_mem>>) {add = true}
      }
      %scan3A_57 = arith.constant 60 : i32
      %dma_wait3A = arith.constant 0 : i32
      %dma_wait3A_58 = tpu.memref_slice %arg2[%dma_wait3A] : memref<320000xf32, #tpu.memory_space<hbm>> -> memref<10240xf32, #tpu.memory_space<hbm>>
      %dma_wait3A_59 = arith.constant 0 : i32
      %dma_wait3A_60 = tpu.memref_slice %arg2[%dma_wait3A_59] : memref<320000xf32, #tpu.memory_space<hbm>> -> memref<10240xf32, #tpu.memory_space<hbm>>
      tpu.wait_dma2 semaphore(%arg10 : memref<!tpu.dma_semaphore, #tpu.memory_space<semaphore_mem>>) src(%dma_wait3A_60 : memref<10240xf32, #tpu.memory_space<hbm>>) dst(%arg6 : memref<10240xf32, #tpu.memory_space<vmem>>)
    } else {
    }
    %eq3A_35 = arith.constant 31 : i32
    %eq3A_36 = arith.cmpi eq, %add3A, %eq3A_35 : i32
    %convert_element_type3A_37 = arith.extui %eq3A_36 : i1 to i32
    %cond3A_38 = arith.constant 0 : i32
    %cond3A_39 = arith.cmpi ne, %convert_element_type3A_37, %cond3A_38 : i32
    scf.if %cond3A_39 {
      %dma_wait3A = arith.constant 0 : i32
      %dma_wait3A_52 = tpu.memref_slice %arg6[%dma_wait3A] : memref<10240xf32, #tpu.memory_space<vmem>> -> memref<2560xf32, #tpu.memory_space<vmem>>
      %dma_wait3A_53 = arith.constant 0 : i32
      %dma_wait3A_54 = tpu.memref_slice %arg2[%dma_wait3A_53] : memref<320000xf32, #tpu.memory_space<hbm>> -> memref<2560xf32, #tpu.memory_space<hbm>>
      %dma_wait3A_55 = arith.constant 0 : i32
      %dma_wait3A_56 = tpu.memref_slice %arg6[%dma_wait3A_55] : memref<10240xf32, #tpu.memory_space<vmem>> -> memref<2560xf32, #tpu.memory_space<vmem>>
      %dma_wait3A_57 = arith.constant 0 : i32
      %dma_wait3A_58 = tpu.memref_slice %arg2[%dma_wait3A_57] : memref<320000xf32, #tpu.memory_space<hbm>> -> memref<2560xf32, #tpu.memory_space<hbm>>
      tpu.wait_dma2 semaphore(%arg10 : memref<!tpu.dma_semaphore, #tpu.memory_space<semaphore_mem>>) src(%dma_wait3A_58 : memref<2560xf32, #tpu.memory_space<hbm>>) dst(%dma_wait3A_56 : memref<2560xf32, #tpu.memory_space<vmem>>)
    } else {
    }
    %barrier3A_40 = arith.constant 0 : index
    tpu.barrier barrier_id(%barrier3A_40)
    %barrier3A_41 = arith.constant 0 : index
    tpu.barrier barrier_id(%barrier3A_41)
    %eq3A_42 = arith.constant 0 : i32
    %eq3A_43 = arith.cmpi eq, %arg0, %eq3A_42 : i32
    %convert_element_type3A_44 = arith.extui %eq3A_43 : i1 to i32
    %cond3A_45 = arith.constant 0 : i32
    %cond3A_46 = arith.cmpi ne, %convert_element_type3A_44, %cond3A_45 : i32
    scf.if %cond3A_46 {
      %mul3A_52 = arith.constant 640 : i32
      %mul3A_53 = arith.muli %arg1, %mul3A_52 : i32
      %mul3A_54 = arith.constant 640 : i32
      %mul3A_55 = arith.muli %arg1, %mul3A_54 : i32
      "tpu.region"() ({
        %run_scoped3A = tpu.sem_alloc : memref<!tpu.dma_semaphore, #tpu.memory_space<semaphore_mem>>
        %dma_start3A = tpu.memref_slice %arg4[%mul3A_55] : memref<10240xf32, #tpu.memory_space<hbm>> -> memref<640xf32, #tpu.memory_space<hbm>>
        %dma_start3A_56 = tpu.memref_slice %arg9[%mul3A_53] : memref<10240xf32, #tpu.memory_space<vmem_shared>> -> memref<640xf32, #tpu.memory_space<vmem_shared>>
        tpu.enqueue_dma source(%dma_start3A_56 : memref<640xf32, #tpu.memory_space<vmem_shared>>) target(%dma_start3A : memref<640xf32, #tpu.memory_space<hbm>>) target_semaphore(%run_scoped3A : memref<!tpu.dma_semaphore, #tpu.memory_space<semaphore_mem>>)
        %dma_wait3A = tpu.memref_slice %arg4[%mul3A_55] : memref<10240xf32, #tpu.memory_space<hbm>> -> memref<640xf32, #tpu.memory_space<hbm>>
        %dma_wait3A_57 = tpu.memref_slice %arg9[%mul3A_53] : memref<10240xf32, #tpu.memory_space<vmem_shared>> -> memref<640xf32, #tpu.memory_space<vmem_shared>>
        tpu.wait_dma2 semaphore(%run_scoped3A : memref<!tpu.dma_semaphore, #tpu.memory_space<semaphore_mem>>) src(%dma_wait3A_57 : memref<640xf32, #tpu.memory_space<vmem_shared>>) dst(%dma_wait3A : memref<640xf32, #tpu.memory_space<hbm>>)
        tpu.yield
      }) : () -> ()
    } else {
    }
    %eq3A_47 = arith.constant 1 : i32
    %eq3A_48 = arith.cmpi eq, %arg0, %eq3A_47 : i32
    %convert_element_type3A_49 = arith.extui %eq3A_48 : i1 to i32
    %cond3A_50 = arith.constant 0 : i32
    %cond3A_51 = arith.cmpi ne, %convert_element_type3A_49, %cond3A_50 : i32
    scf.if %cond3A_51 {
      %mul3A_52 = arith.constant 640 : i32
      %mul3A_53 = arith.muli %arg1, %mul3A_52 : i32
      %mul3A_54 = arith.constant 640 : i32
      %mul3A_55 = arith.muli %arg1, %mul3A_54 : i32
      "tpu.region"() ({
        %run_scoped3A = tpu.sem_alloc : memref<!tpu.dma_semaphore, #tpu.memory_space<semaphore_mem>>
        %dma_start3A = tpu.memref_slice %arg5[%mul3A_55] : memref<10240xf32, #tpu.memory_space<hbm>> -> memref<640xf32, #tpu.memory_space<hbm>>
        %dma_start3A_56 = tpu.memref_slice %arg9[%mul3A_53] : memref<10240xf32, #tpu.memory_space<vmem_shared>> -> memref<640xf32, #tpu.memory_space<vmem_shared>>
        tpu.enqueue_dma source(%dma_start3A_56 : memref<640xf32, #tpu.memory_space<vmem_shared>>) target(%dma_start3A : memref<640xf32, #tpu.memory_space<hbm>>) target_semaphore(%run_scoped3A : memref<!tpu.dma_semaphore, #tpu.memory_space<semaphore_mem>>)
        %dma_wait3A = tpu.memref_slice %arg5[%mul3A_55] : memref<10240xf32, #tpu.memory_space<hbm>> -> memref<640xf32, #tpu.memory_space<hbm>>
        %dma_wait3A_57 = tpu.memref_slice %arg9[%mul3A_53] : memref<10240xf32, #tpu.memory_space<vmem_shared>> -> memref<640xf32, #tpu.memory_space<vmem_shared>>
        tpu.wait_dma2 semaphore(%run_scoped3A : memref<!tpu.dma_semaphore, #tpu.memory_space<semaphore_mem>>) src(%dma_wait3A_57 : memref<640xf32, #tpu.memory_space<vmem_shared>>) dst(%dma_wait3A : memref<640xf32, #tpu.memory_space<hbm>>)
        tpu.yield
      }) : () -> ()
    } else {
    }
    return
  }
}

#map = affine_map<(d0, d1) -> (0)>
#map1 = affine_map<(d0, d1) -> (0, 0)>
module attributes {stable_mosaic.version = 14 : i64} {
  func.func @_sc_norm_body(%arg0: i32, %arg1: i32, %arg2: memref<320000xf32, #tpu.memory_space<hbm>>, %arg3: memref<2500x128xi32, #tpu.memory_space<hbm>>, %arg4: memref<10240xf32, #tpu.memory_space<hbm>>, %arg5: memref<10240xf32, #tpu.memory_space<hbm>>, %arg6: memref<320000xf32, #tpu.memory_space<hbm>>, %arg7: memref<10240xf32, #tpu.memory_space<vmem>>, %arg8: memref<80x128xi32, #tpu.memory_space<vmem>>, %arg9: memref<80x128xf32, #tpu.memory_space<vmem>>, %arg10: memref<640xf32, #tpu.memory_space<vmem>>, %arg11: memref<640xf32, #tpu.memory_space<vmem>>, %arg12: memref<10240xf32, #tpu.memory_space<vmem_shared>>, %arg13: memref<!tpu.dma_semaphore, #tpu.memory_space<semaphore_mem>>) attributes {dimension_semantics = [#tpu.dimension_semantics<core_parallel>, #tpu.dimension_semantics<subcore_parallel>], iteration_bounds = array<i64: 2, 16>, scalar_prefetch = 0 : i64, scratch_operands = 7 : i64, tpu.core_type = #tpu.core_type<sc_vector_subcore>, window_params = [{transform_indices = #map}, {transform_indices = #map1}, {transform_indices = #map}, {transform_indices = #map}, {transform_indices = #map}]} {
    %mul3A = arith.constant 16 : i32
    %mul3A_0 = arith.muli %arg0, %mul3A : i32
    %add3A = arith.addi %mul3A_0, %arg1 : i32
    %lt3A = arith.constant 31 : i32
    %lt3A_1 = arith.cmpi slt, %add3A, %lt3A : i32
    %convert_element_type3A = arith.extui %lt3A_1 : i1 to i32
    %cond3A = arith.constant 0 : i32
    %cond3A_2 = arith.cmpi ne, %convert_element_type3A, %cond3A : i32
    scf.if %cond3A_2 {
      %mul3A_61 = arith.constant 10240 : i32
      %mul3A_62 = arith.muli %add3A, %mul3A_61 : i32
      %dma_start3A = tpu.memref_slice %arg2[%mul3A_62] : memref<320000xf32, #tpu.memory_space<hbm>> -> memref<10240xf32, #tpu.memory_space<hbm>>
      %dma_start3A_63 = tpu.memref_slice %arg2[%mul3A_62] : memref<320000xf32, #tpu.memory_space<hbm>> -> memref<10240xf32, #tpu.memory_space<hbm>>
      tpu.enqueue_dma source(%dma_start3A_63 : memref<10240xf32, #tpu.memory_space<hbm>>) target(%arg7 : memref<10240xf32, #tpu.memory_space<vmem>>) target_semaphore(%arg13 : memref<!tpu.dma_semaphore, #tpu.memory_space<semaphore_mem>>)
    } else {
    }
    %eq3A = arith.constant 31 : i32
    %eq3A_3 = arith.cmpi eq, %add3A, %eq3A : i32
    %convert_element_type3A_4 = arith.extui %eq3A_3 : i1 to i32
    %cond3A_5 = arith.constant 0 : i32
    %cond3A_6 = arith.cmpi ne, %convert_element_type3A_4, %cond3A_5 : i32
    scf.if %cond3A_6 {
      %dma_start3A = arith.constant 0 : i32
      %dma_start3A_61 = tpu.memref_slice %arg7[%dma_start3A] : memref<10240xf32, #tpu.memory_space<vmem>> -> memref<2560xf32, #tpu.memory_space<vmem>>
      %dma_start3A_62 = arith.constant 317440 : i32
      %dma_start3A_63 = tpu.memref_slice %arg2[%dma_start3A_62] : memref<320000xf32, #tpu.memory_space<hbm>> -> memref<2560xf32, #tpu.memory_space<hbm>>
      %dma_start3A_64 = arith.constant 0 : i32
      %dma_start3A_65 = tpu.memref_slice %arg7[%dma_start3A_64] : memref<10240xf32, #tpu.memory_space<vmem>> -> memref<2560xf32, #tpu.memory_space<vmem>>
      %dma_start3A_66 = arith.constant 317440 : i32
      %dma_start3A_67 = tpu.memref_slice %arg2[%dma_start3A_66] : memref<320000xf32, #tpu.memory_space<hbm>> -> memref<2560xf32, #tpu.memory_space<hbm>>
      tpu.enqueue_dma source(%dma_start3A_67 : memref<2560xf32, #tpu.memory_space<hbm>>) target(%dma_start3A_65 : memref<2560xf32, #tpu.memory_space<vmem>>) target_semaphore(%arg13 : memref<!tpu.dma_semaphore, #tpu.memory_space<semaphore_mem>>)
    } else {
    }
    %mul3A_7 = arith.constant 640 : i32
    %mul3A_8 = arith.muli %arg1, %mul3A_7 : i32
    "tpu.region"() ({
      %run_scoped3A = tpu.sem_alloc : memref<!tpu.dma_semaphore, #tpu.memory_space<semaphore_mem>>
      %dma_start3A = tpu.memref_slice %arg4[%mul3A_8] : memref<10240xf32, #tpu.memory_space<hbm>> -> memref<640xf32, #tpu.memory_space<hbm>>
      %dma_start3A_61 = tpu.memref_slice %arg4[%mul3A_8] : memref<10240xf32, #tpu.memory_space<hbm>> -> memref<640xf32, #tpu.memory_space<hbm>>
      tpu.enqueue_dma source(%dma_start3A_61 : memref<640xf32, #tpu.memory_space<hbm>>) target(%arg10 : memref<640xf32, #tpu.memory_space<vmem>>) target_semaphore(%run_scoped3A : memref<!tpu.dma_semaphore, #tpu.memory_space<semaphore_mem>>)
      %dma_wait3A = tpu.memref_slice %arg4[%mul3A_8] : memref<10240xf32, #tpu.memory_space<hbm>> -> memref<640xf32, #tpu.memory_space<hbm>>
      %dma_wait3A_62 = tpu.memref_slice %arg4[%mul3A_8] : memref<10240xf32, #tpu.memory_space<hbm>> -> memref<640xf32, #tpu.memory_space<hbm>>
      tpu.wait_dma2 semaphore(%run_scoped3A : memref<!tpu.dma_semaphore, #tpu.memory_space<semaphore_mem>>) src(%dma_wait3A_62 : memref<640xf32, #tpu.memory_space<hbm>>) dst(%arg10 : memref<640xf32, #tpu.memory_space<vmem>>)
      tpu.yield
    }) : () -> ()
    %mul3A_9 = arith.constant 640 : i32
    %mul3A_10 = arith.muli %arg1, %mul3A_9 : i32
    "tpu.region"() ({
      %run_scoped3A = tpu.sem_alloc : memref<!tpu.dma_semaphore, #tpu.memory_space<semaphore_mem>>
      %dma_start3A = tpu.memref_slice %arg5[%mul3A_10] : memref<10240xf32, #tpu.memory_space<hbm>> -> memref<640xf32, #tpu.memory_space<hbm>>
      %dma_start3A_61 = tpu.memref_slice %arg5[%mul3A_10] : memref<10240xf32, #tpu.memory_space<hbm>> -> memref<640xf32, #tpu.memory_space<hbm>>
      tpu.enqueue_dma source(%dma_start3A_61 : memref<640xf32, #tpu.memory_space<hbm>>) target(%arg11 : memref<640xf32, #tpu.memory_space<vmem>>) target_semaphore(%run_scoped3A : memref<!tpu.dma_semaphore, #tpu.memory_space<semaphore_mem>>)
      %dma_wait3A = tpu.memref_slice %arg5[%mul3A_10] : memref<10240xf32, #tpu.memory_space<hbm>> -> memref<640xf32, #tpu.memory_space<hbm>>
      %dma_wait3A_62 = tpu.memref_slice %arg5[%mul3A_10] : memref<10240xf32, #tpu.memory_space<hbm>> -> memref<640xf32, #tpu.memory_space<hbm>>
      tpu.wait_dma2 semaphore(%run_scoped3A : memref<!tpu.dma_semaphore, #tpu.memory_space<semaphore_mem>>) src(%dma_wait3A_62 : memref<640xf32, #tpu.memory_space<hbm>>) dst(%arg11 : memref<640xf32, #tpu.memory_space<vmem>>)
      tpu.yield
    }) : () -> ()
    %scan3A = arith.constant 0 : i32
    %scan3A_11 = arith.constant 0 : i32
    %scan3A_12 = arith.constant 40 : i32
    %scan3A_13 = arith.addi %scan3A_11, %scan3A_12 : i32
    %scan3A_14 = arith.constant 4 : i32
    scf.for %scan3A_61 = %scan3A_11 to %scan3A_13 step %scan3A_14  : i32 {
      %mul3A_62 = arith.constant 16 : i32
      %mul3A_63 = arith.muli %scan3A_61, %mul3A_62 : i32
      %get3A = arith.index_cast %mul3A_63 : i32 to index
      %get3A_64 = tpu.vector_load %arg10[%get3A] {strides = array<i32>} : memref<640xf32, #tpu.memory_space<vmem>>, vector<16xf32>,
      %get3A_65 = vector.shape_cast %get3A_64 : vector<16xf32> to vector<16xf32>
      %mul3A_66 = arith.constant 16 : i32
      %mul3A_67 = arith.muli %scan3A_61, %mul3A_66 : i32
      %get3A_68 = arith.index_cast %mul3A_67 : i32 to index
      %get3A_69 = tpu.vector_load %arg11[%get3A_68] {strides = array<i32>} : memref<640xf32, #tpu.memory_space<vmem>>, vector<16xf32>,
      %get3A_70 = vector.shape_cast %get3A_69 : vector<16xf32> to vector<16xf32>
      %add3A_71 = arith.addf %get3A_65, %get3A_70 : vector<16xf32>
      %mul3A_72 = arith.constant 16 : i32
      %mul3A_73 = arith.muli %scan3A_61, %mul3A_72 : i32
      %swap3A = arith.index_cast %mul3A_73 : i32 to index
      %swap3A_74 = tpu.vector_load %arg10[%swap3A] {strides = array<i32>} : memref<640xf32, #tpu.memory_space<vmem>>, vector<16xf32>,
      %swap3A_75 = vector.shape_cast %swap3A_74 : vector<16xf32> to vector<16xf32>
      %swap3A_76 = vector.shape_cast %add3A_71 : vector<16xf32> to vector<16xf32>
      tpu.vector_store %arg10[%swap3A], %swap3A_76 {strides = array<i32>} : memref<640xf32, #tpu.memory_space<vmem>>, vector<16xf32>,
      %scan3A_77 = arith.constant 1 : i32
      %scan3A_78 = arith.addi %scan3A_61, %scan3A_77 : i32
      %mul3A_79 = arith.constant 16 : i32
      %mul3A_80 = arith.muli %scan3A_78, %mul3A_79 : i32
      %get3A_81 = arith.index_cast %mul3A_80 : i32 to index
      %get3A_82 = tpu.vector_load %arg10[%get3A_81] {strides = array<i32>} : memref<640xf32, #tpu.memory_space<vmem>>, vector<16xf32>,
      %get3A_83 = vector.shape_cast %get3A_82 : vector<16xf32> to vector<16xf32>
      %mul3A_84 = arith.constant 16 : i32
      %mul3A_85 = arith.muli %scan3A_78, %mul3A_84 : i32
      %get3A_86 = arith.index_cast %mul3A_85 : i32 to index
      %get3A_87 = tpu.vector_load %arg11[%get3A_86] {strides = array<i32>} : memref<640xf32, #tpu.memory_space<vmem>>, vector<16xf32>,
      %get3A_88 = vector.shape_cast %get3A_87 : vector<16xf32> to vector<16xf32>
      %add3A_89 = arith.addf %get3A_83, %get3A_88 : vector<16xf32>
      %mul3A_90 = arith.constant 16 : i32
      %mul3A_91 = arith.muli %scan3A_78, %mul3A_90 : i32
      %swap3A_92 = arith.index_cast %mul3A_91 : i32 to index
      %swap3A_93 = tpu.vector_load %arg10[%swap3A_92] {strides = array<i32>} : memref<640xf32, #tpu.memory_space<vmem>>, vector<16xf32>,
      %swap3A_94 = vector.shape_cast %swap3A_93 : vector<16xf32> to vector<16xf32>
      %swap3A_95 = vector.shape_cast %add3A_89 : vector<16xf32> to vector<16xf32>
      tpu.vector_store %arg10[%swap3A_92], %swap3A_95 {strides = array<i32>} : memref<640xf32, #tpu.memory_space<vmem>>, vector<16xf32>,
      %scan3A_96 = arith.constant 2 : i32
      %scan3A_97 = arith.addi %scan3A_61, %scan3A_96 : i32
      %mul3A_98 = arith.constant 16 : i32
      %mul3A_99 = arith.muli %scan3A_97, %mul3A_98 : i32
      %get3A_100 = arith.index_cast %mul3A_99 : i32 to index
      %get3A_101 = tpu.vector_load %arg10[%get3A_100] {strides = array<i32>} : memref<640xf32, #tpu.memory_space<vmem>>, vector<16xf32>,
      %get3A_102 = vector.shape_cast %get3A_101 : vector<16xf32> to vector<16xf32>
      %mul3A_103 = arith.constant 16 : i32
      %mul3A_104 = arith.muli %scan3A_97, %mul3A_103 : i32
      %get3A_105 = arith.index_cast %mul3A_104 : i32 to index
      %get3A_106 = tpu.vector_load %arg11[%get3A_105] {strides = array<i32>} : memref<640xf32, #tpu.memory_space<vmem>>, vector<16xf32>,
      %get3A_107 = vector.shape_cast %get3A_106 : vector<16xf32> to vector<16xf32>
      %add3A_108 = arith.addf %get3A_102, %get3A_107 : vector<16xf32>
      %mul3A_109 = arith.constant 16 : i32
      %mul3A_110 = arith.muli %scan3A_97, %mul3A_109 : i32
      %swap3A_111 = arith.index_cast %mul3A_110 : i32 to index
      %swap3A_112 = tpu.vector_load %arg10[%swap3A_111] {strides = array<i32>} : memref<640xf32, #tpu.memory_space<vmem>>, vector<16xf32>,
      %swap3A_113 = vector.shape_cast %swap3A_112 : vector<16xf32> to vector<16xf32>
      %swap3A_114 = vector.shape_cast %add3A_108 : vector<16xf32> to vector<16xf32>
      tpu.vector_store %arg10[%swap3A_111], %swap3A_114 {strides = array<i32>} : memref<640xf32, #tpu.memory_space<vmem>>, vector<16xf32>,
      %scan3A_115 = arith.constant 3 : i32
      %scan3A_116 = arith.addi %scan3A_61, %scan3A_115 : i32
      %mul3A_117 = arith.constant 16 : i32
      %mul3A_118 = arith.muli %scan3A_116, %mul3A_117 : i32
      %get3A_119 = arith.index_cast %mul3A_118 : i32 to index
      %get3A_120 = tpu.vector_load %arg10[%get3A_119] {strides = array<i32>} : memref<640xf32, #tpu.memory_space<vmem>>, vector<16xf32>,
      %get3A_121 = vector.shape_cast %get3A_120 : vector<16xf32> to vector<16xf32>
      %mul3A_122 = arith.constant 16 : i32
      %mul3A_123 = arith.muli %scan3A_116, %mul3A_122 : i32
      %get3A_124 = arith.index_cast %mul3A_123 : i32 to index
      %get3A_125 = tpu.vector_load %arg11[%get3A_124] {strides = array<i32>} : memref<640xf32, #tpu.memory_space<vmem>>, vector<16xf32>,
      %get3A_126 = vector.shape_cast %get3A_125 : vector<16xf32> to vector<16xf32>
      %add3A_127 = arith.addf %get3A_121, %get3A_126 : vector<16xf32>
      %mul3A_128 = arith.constant 16 : i32
      %mul3A_129 = arith.muli %scan3A_116, %mul3A_128 : i32
      %swap3A_130 = arith.index_cast %mul3A_129 : i32 to index
      %swap3A_131 = tpu.vector_load %arg10[%swap3A_130] {strides = array<i32>} : memref<640xf32, #tpu.memory_space<vmem>>, vector<16xf32>,
      %swap3A_132 = vector.shape_cast %swap3A_131 : vector<16xf32> to vector<16xf32>
      %swap3A_133 = vector.shape_cast %add3A_127 : vector<16xf32> to vector<16xf32>
      tpu.vector_store %arg10[%swap3A_130], %swap3A_133 {strides = array<i32>} : memref<640xf32, #tpu.memory_space<vmem>>, vector<16xf32>,
    }
    %scan3A_15 = arith.constant 40 : i32
    %mul3A_16 = arith.constant 640 : i32
    %mul3A_17 = arith.muli %arg1, %mul3A_16 : i32
    "tpu.region"() ({
      %run_scoped3A = tpu.sem_alloc : memref<!tpu.dma_semaphore, #tpu.memory_space<semaphore_mem>>
      %dma_start3A = tpu.memref_slice %arg12[%mul3A_17] : memref<10240xf32, #tpu.memory_space<vmem_shared>> -> memref<640xf32, #tpu.memory_space<vmem_shared>>
      %dma_start3A_61 = tpu.memref_slice %arg12[%mul3A_17] : memref<10240xf32, #tpu.memory_space<vmem_shared>> -> memref<640xf32, #tpu.memory_space<vmem_shared>>
      tpu.enqueue_dma source(%arg10 : memref<640xf32, #tpu.memory_space<vmem>>) target(%dma_start3A_61 : memref<640xf32, #tpu.memory_space<vmem_shared>>) target_semaphore(%run_scoped3A : memref<!tpu.dma_semaphore, #tpu.memory_space<semaphore_mem>>)
      %dma_wait3A = tpu.memref_slice %arg12[%mul3A_17] : memref<10240xf32, #tpu.memory_space<vmem_shared>> -> memref<640xf32, #tpu.memory_space<vmem_shared>>
      %dma_wait3A_62 = tpu.memref_slice %arg12[%mul3A_17] : memref<10240xf32, #tpu.memory_space<vmem_shared>> -> memref<640xf32, #tpu.memory_space<vmem_shared>>
      tpu.wait_dma2 semaphore(%run_scoped3A : memref<!tpu.dma_semaphore, #tpu.memory_space<semaphore_mem>>) src(%arg10 : memref<640xf32, #tpu.memory_space<vmem>>) dst(%dma_wait3A_62 : memref<640xf32, #tpu.memory_space<vmem_shared>>)
      tpu.yield
    }) : () -> ()
    %lt3A_18 = arith.constant 31 : i32
    %lt3A_19 = arith.cmpi slt, %add3A, %lt3A_18 : i32
    %convert_element_type3A_20 = arith.extui %lt3A_19 : i1 to i32
    %cond3A_21 = arith.constant 0 : i32
    %cond3A_22 = arith.cmpi ne, %convert_element_type3A_20, %cond3A_21 : i32
    scf.if %cond3A_22 {
      %mul3A_61 = arith.constant 80 : i32
      %mul3A_62 = arith.muli %add3A, %mul3A_61 : i32
      "tpu.region"() ({
        %run_scoped3A = tpu.sem_alloc : memref<!tpu.dma_semaphore, #tpu.memory_space<semaphore_mem>>
        %dma_start3A = arith.constant 0 : i32
        %dma_start3A_66 = tpu.memref_slice %arg3[%mul3A_62, %dma_start3A] : memref<2500x128xi32, #tpu.memory_space<hbm>> -> memref<80x128xi32, #tpu.memory_space<hbm>>
        %dma_start3A_67 = arith.constant 0 : i32
        %dma_start3A_68 = tpu.memref_slice %arg3[%mul3A_62, %dma_start3A_67] : memref<2500x128xi32, #tpu.memory_space<hbm>> -> memref<80x128xi32, #tpu.memory_space<hbm>>
        tpu.enqueue_dma source(%dma_start3A_68 : memref<80x128xi32, #tpu.memory_space<hbm>>) target(%arg8 : memref<80x128xi32, #tpu.memory_space<vmem>>) target_semaphore(%run_scoped3A : memref<!tpu.dma_semaphore, #tpu.memory_space<semaphore_mem>>)
        %dma_wait3A_69 = arith.constant 0 : i32
        %dma_wait3A_70 = tpu.memref_slice %arg3[%mul3A_62, %dma_wait3A_69] : memref<2500x128xi32, #tpu.memory_space<hbm>> -> memref<80x128xi32, #tpu.memory_space<hbm>>
        %dma_wait3A_71 = arith.constant 0 : i32
        %dma_wait3A_72 = tpu.memref_slice %arg3[%mul3A_62, %dma_wait3A_71] : memref<2500x128xi32, #tpu.memory_space<hbm>> -> memref<80x128xi32, #tpu.memory_space<hbm>>
        tpu.wait_dma2 semaphore(%run_scoped3A : memref<!tpu.dma_semaphore, #tpu.memory_space<semaphore_mem>>) src(%dma_wait3A_72 : memref<80x128xi32, #tpu.memory_space<hbm>>) dst(%arg8 : memref<80x128xi32, #tpu.memory_space<vmem>>)
        tpu.yield
      }) : () -> ()
      %dma_wait3A = arith.constant 0 : i32
      %dma_wait3A_63 = tpu.memref_slice %arg2[%dma_wait3A] : memref<320000xf32, #tpu.memory_space<hbm>> -> memref<10240xf32, #tpu.memory_space<hbm>>
      %dma_wait3A_64 = arith.constant 0 : i32
      %dma_wait3A_65 = tpu.memref_slice %arg2[%dma_wait3A_64] : memref<320000xf32, #tpu.memory_space<hbm>> -> memref<10240xf32, #tpu.memory_space<hbm>>
      tpu.wait_dma2 semaphore(%arg13 : memref<!tpu.dma_semaphore, #tpu.memory_space<semaphore_mem>>) src(%dma_wait3A_65 : memref<10240xf32, #tpu.memory_space<hbm>>) dst(%arg7 : memref<10240xf32, #tpu.memory_space<vmem>>)
    } else {
    }
    %eq3A_23 = arith.constant 31 : i32
    %eq3A_24 = arith.cmpi eq, %add3A, %eq3A_23 : i32
    %convert_element_type3A_25 = arith.extui %eq3A_24 : i1 to i32
    %cond3A_26 = arith.constant 0 : i32
    %cond3A_27 = arith.cmpi ne, %convert_element_type3A_25, %cond3A_26 : i32
    scf.if %cond3A_27 {
      "tpu.region"() ({
        %run_scoped3A = tpu.sem_alloc : memref<!tpu.dma_semaphore, #tpu.memory_space<semaphore_mem>>
        %dma_start3A = arith.constant 0 : i32
        %dma_start3A_68 = arith.constant 0 : i32
        %dma_start3A_69 = tpu.memref_slice %arg8[%dma_start3A, %dma_start3A_68] : memref<80x128xi32, #tpu.memory_space<vmem>> -> memref<20x128xi32, #tpu.memory_space<vmem>>
        %dma_start3A_70 = arith.constant 2480 : i32
        %dma_start3A_71 = arith.constant 0 : i32
        %dma_start3A_72 = tpu.memref_slice %arg3[%dma_start3A_70, %dma_start3A_71] : memref<2500x128xi32, #tpu.memory_space<hbm>> -> memref<20x128xi32, #tpu.memory_space<hbm>>
        %dma_start3A_73 = arith.constant 0 : i32
        %dma_start3A_74 = arith.constant 0 : i32
        %dma_start3A_75 = tpu.memref_slice %arg8[%dma_start3A_73, %dma_start3A_74] : memref<80x128xi32, #tpu.memory_space<vmem>> -> memref<20x128xi32, #tpu.memory_space<vmem>>
        %dma_start3A_76 = arith.constant 2480 : i32
        %dma_start3A_77 = arith.constant 0 : i32
        %dma_start3A_78 = tpu.memref_slice %arg3[%dma_start3A_76, %dma_start3A_77] : memref<2500x128xi32, #tpu.memory_space<hbm>> -> memref<20x128xi32, #tpu.memory_space<hbm>>
        tpu.enqueue_dma source(%dma_start3A_78 : memref<20x128xi32, #tpu.memory_space<hbm>>) target(%dma_start3A_75 : memref<20x128xi32, #tpu.memory_space<vmem>>) target_semaphore(%run_scoped3A : memref<!tpu.dma_semaphore, #tpu.memory_space<semaphore_mem>>)
        %dma_wait3A_79 = arith.constant 0 : i32
        %dma_wait3A_80 = arith.constant 0 : i32
        %dma_wait3A_81 = tpu.memref_slice %arg8[%dma_wait3A_79, %dma_wait3A_80] : memref<80x128xi32, #tpu.memory_space<vmem>> -> memref<20x128xi32, #tpu.memory_space<vmem>>
        %dma_wait3A_82 = arith.constant 2480 : i32
        %dma_wait3A_83 = arith.constant 0 : i32
        %dma_wait3A_84 = tpu.memref_slice %arg3[%dma_wait3A_82, %dma_wait3A_83] : memref<2500x128xi32, #tpu.memory_space<hbm>> -> memref<20x128xi32, #tpu.memory_space<hbm>>
        %dma_wait3A_85 = arith.constant 0 : i32
        %dma_wait3A_86 = arith.constant 0 : i32
        %dma_wait3A_87 = tpu.memref_slice %arg8[%dma_wait3A_85, %dma_wait3A_86] : memref<80x128xi32, #tpu.memory_space<vmem>> -> memref<20x128xi32, #tpu.memory_space<vmem>>
        %dma_wait3A_88 = arith.constant 2480 : i32
        %dma_wait3A_89 = arith.constant 0 : i32
        %dma_wait3A_90 = tpu.memref_slice %arg3[%dma_wait3A_88, %dma_wait3A_89] : memref<2500x128xi32, #tpu.memory_space<hbm>> -> memref<20x128xi32, #tpu.memory_space<hbm>>
        tpu.wait_dma2 semaphore(%run_scoped3A : memref<!tpu.dma_semaphore, #tpu.memory_space<semaphore_mem>>) src(%dma_wait3A_90 : memref<20x128xi32, #tpu.memory_space<hbm>>) dst(%dma_wait3A_87 : memref<20x128xi32, #tpu.memory_space<vmem>>)
        tpu.yield
      }) : () -> ()
      %dma_wait3A = arith.constant 0 : i32
      %dma_wait3A_61 = tpu.memref_slice %arg7[%dma_wait3A] : memref<10240xf32, #tpu.memory_space<vmem>> -> memref<2560xf32, #tpu.memory_space<vmem>>
      %dma_wait3A_62 = arith.constant 0 : i32
      %dma_wait3A_63 = tpu.memref_slice %arg2[%dma_wait3A_62] : memref<320000xf32, #tpu.memory_space<hbm>> -> memref<2560xf32, #tpu.memory_space<hbm>>
      %dma_wait3A_64 = arith.constant 0 : i32
      %dma_wait3A_65 = tpu.memref_slice %arg7[%dma_wait3A_64] : memref<10240xf32, #tpu.memory_space<vmem>> -> memref<2560xf32, #tpu.memory_space<vmem>>
      %dma_wait3A_66 = arith.constant 0 : i32
      %dma_wait3A_67 = tpu.memref_slice %arg2[%dma_wait3A_66] : memref<320000xf32, #tpu.memory_space<hbm>> -> memref<2560xf32, #tpu.memory_space<hbm>>
      tpu.wait_dma2 semaphore(%arg13 : memref<!tpu.dma_semaphore, #tpu.memory_space<semaphore_mem>>) src(%dma_wait3A_67 : memref<2560xf32, #tpu.memory_space<hbm>>) dst(%dma_wait3A_65 : memref<2560xf32, #tpu.memory_space<vmem>>)
    } else {
    }
    %barrier3A = arith.constant 0 : index
    tpu.barrier barrier_id(%barrier3A)
    %barrier3A_28 = arith.constant 0 : index
    tpu.barrier barrier_id(%barrier3A_28)
    %scan3A_29 = arith.constant 0 : i32
    %scan3A_30 = arith.constant 0 : i32
    %scan3A_31 = arith.constant 20 : i32
    %scan3A_32 = arith.addi %scan3A_30, %scan3A_31 : i32
    %scan3A_33 = arith.constant 4 : i32
    scf.for %scan3A_61 = %scan3A_30 to %scan3A_32 step %scan3A_33  : i32 {
      %dma_start3A = arith.constant 0 : i32
      %dma_start3A_62 = tpu.memref_slice %arg9[%scan3A_61, %dma_start3A] : memref<80x128xf32, #tpu.memory_space<vmem>> -> memref<1x128xf32, #tpu.memory_space<vmem>>
      %dma_start3A_63 = tpu.memref_squeeze %dma_start3A_62 : memref<1x128xf32, #tpu.memory_space<vmem>> -> memref<128xf32, #tpu.memory_space<vmem>>
      %dma_start3A_64 = arith.constant 0 : i32
      %dma_start3A_65 = tpu.memref_slice %arg8[%scan3A_61, %dma_start3A_64] : memref<80x128xi32, #tpu.memory_space<vmem>> -> memref<1x128xi32, #tpu.memory_space<vmem>>
      %dma_start3A_66 = tpu.memref_squeeze %dma_start3A_65 : memref<1x128xi32, #tpu.memory_space<vmem>> -> memref<128xi32, #tpu.memory_space<vmem>>
      %dma_start3A_67 = arith.constant 0 : i32
      %dma_start3A_68 = tpu.memref_slice %arg12[%dma_start3A_67] : memref<10240xf32, #tpu.memory_space<vmem_shared>> -> memref<10240xf32, #tpu.memory_space<vmem_shared>>
      tpu.enqueue_indirect_dma source(%dma_start3A_68 : memref<10240xf32, #tpu.memory_space<vmem_shared>>) target(%dma_start3A_63 : memref<128xf32, #tpu.memory_space<vmem>>) offsets(%dma_start3A_66 : memref<128xi32, #tpu.memory_space<vmem>>) semaphore(%arg13 : memref<!tpu.dma_semaphore, #tpu.memory_space<semaphore_mem>>)
      %scan3A_69 = arith.constant 1 : i32
      %scan3A_70 = arith.addi %scan3A_61, %scan3A_69 : i32
      %dma_start3A_71 = arith.constant 0 : i32
      %dma_start3A_72 = tpu.memref_slice %arg9[%scan3A_70, %dma_start3A_71] : memref<80x128xf32, #tpu.memory_space<vmem>> -> memref<1x128xf32, #tpu.memory_space<vmem>>
      %dma_start3A_73 = tpu.memref_squeeze %dma_start3A_72 : memref<1x128xf32, #tpu.memory_space<vmem>> -> memref<128xf32, #tpu.memory_space<vmem>>
      %dma_start3A_74 = arith.constant 0 : i32
      %dma_start3A_75 = tpu.memref_slice %arg8[%scan3A_70, %dma_start3A_74] : memref<80x128xi32, #tpu.memory_space<vmem>> -> memref<1x128xi32, #tpu.memory_space<vmem>>
      %dma_start3A_76 = tpu.memref_squeeze %dma_start3A_75 : memref<1x128xi32, #tpu.memory_space<vmem>> -> memref<128xi32, #tpu.memory_space<vmem>>
      %dma_start3A_77 = arith.constant 0 : i32
      %dma_start3A_78 = tpu.memref_slice %arg12[%dma_start3A_77] : memref<10240xf32, #tpu.memory_space<vmem_shared>> -> memref<10240xf32, #tpu.memory_space<vmem_shared>>
      tpu.enqueue_indirect_dma source(%dma_start3A_78 : memref<10240xf32, #tpu.memory_space<vmem_shared>>) target(%dma_start3A_73 : memref<128xf32, #tpu.memory_space<vmem>>) offsets(%dma_start3A_76 : memref<128xi32, #tpu.memory_space<vmem>>) semaphore(%arg13 : memref<!tpu.dma_semaphore, #tpu.memory_space<semaphore_mem>>)
      %scan3A_79 = arith.constant 2 : i32
      %scan3A_80 = arith.addi %scan3A_61, %scan3A_79 : i32
      %dma_start3A_81 = arith.constant 0 : i32
      %dma_start3A_82 = tpu.memref_slice %arg9[%scan3A_80, %dma_start3A_81] : memref<80x128xf32, #tpu.memory_space<vmem>> -> memref<1x128xf32, #tpu.memory_space<vmem>>
      %dma_start3A_83 = tpu.memref_squeeze %dma_start3A_82 : memref<1x128xf32, #tpu.memory_space<vmem>> -> memref<128xf32, #tpu.memory_space<vmem>>
      %dma_start3A_84 = arith.constant 0 : i32
      %dma_start3A_85 = tpu.memref_slice %arg8[%scan3A_80, %dma_start3A_84] : memref<80x128xi32, #tpu.memory_space<vmem>> -> memref<1x128xi32, #tpu.memory_space<vmem>>
      %dma_start3A_86 = tpu.memref_squeeze %dma_start3A_85 : memref<1x128xi32, #tpu.memory_space<vmem>> -> memref<128xi32, #tpu.memory_space<vmem>>
      %dma_start3A_87 = arith.constant 0 : i32
      %dma_start3A_88 = tpu.memref_slice %arg12[%dma_start3A_87] : memref<10240xf32, #tpu.memory_space<vmem_shared>> -> memref<10240xf32, #tpu.memory_space<vmem_shared>>
      tpu.enqueue_indirect_dma source(%dma_start3A_88 : memref<10240xf32, #tpu.memory_space<vmem_shared>>) target(%dma_start3A_83 : memref<128xf32, #tpu.memory_space<vmem>>) offsets(%dma_start3A_86 : memref<128xi32, #tpu.memory_space<vmem>>) semaphore(%arg13 : memref<!tpu.dma_semaphore, #tpu.memory_space<semaphore_mem>>)
      %scan3A_89 = arith.constant 3 : i32
      %scan3A_90 = arith.addi %scan3A_61, %scan3A_89 : i32
      %dma_start3A_91 = arith.constant 0 : i32
      %dma_start3A_92 = tpu.memref_slice %arg9[%scan3A_90, %dma_start3A_91] : memref<80x128xf32, #tpu.memory_space<vmem>> -> memref<1x128xf32, #tpu.memory_space<vmem>>
      %dma_start3A_93 = tpu.memref_squeeze %dma_start3A_92 : memref<1x128xf32, #tpu.memory_space<vmem>> -> memref<128xf32, #tpu.memory_space<vmem>>
      %dma_start3A_94 = arith.constant 0 : i32
      %dma_start3A_95 = tpu.memref_slice %arg8[%scan3A_90, %dma_start3A_94] : memref<80x128xi32, #tpu.memory_space<vmem>> -> memref<1x128xi32, #tpu.memory_space<vmem>>
      %dma_start3A_96 = tpu.memref_squeeze %dma_start3A_95 : memref<1x128xi32, #tpu.memory_space<vmem>> -> memref<128xi32, #tpu.memory_space<vmem>>
      %dma_start3A_97 = arith.constant 0 : i32
      %dma_start3A_98 = tpu.memref_slice %arg12[%dma_start3A_97] : memref<10240xf32, #tpu.memory_space<vmem_shared>> -> memref<10240xf32, #tpu.memory_space<vmem_shared>>
      tpu.enqueue_indirect_dma source(%dma_start3A_98 : memref<10240xf32, #tpu.memory_space<vmem_shared>>) target(%dma_start3A_93 : memref<128xf32, #tpu.memory_space<vmem>>) offsets(%dma_start3A_96 : memref<128xi32, #tpu.memory_space<vmem>>) semaphore(%arg13 : memref<!tpu.dma_semaphore, #tpu.memory_space<semaphore_mem>>)
    }
    %scan3A_34 = arith.constant 20 : i32
    %lt3A_35 = arith.constant 31 : i32
    %lt3A_36 = arith.cmpi slt, %add3A, %lt3A_35 : i32
    %convert_element_type3A_37 = arith.extui %lt3A_36 : i1 to i32
    %cond3A_38 = arith.constant 0 : i32
    %cond3A_39 = arith.cmpi ne, %convert_element_type3A_37, %cond3A_38 : i32
    scf.if %cond3A_39 {
      %scan3A_61 = arith.constant 0 : i32
      %scan3A_62 = arith.constant 20 : i32
      %scan3A_63 = arith.constant 60 : i32
      %scan3A_64 = arith.addi %scan3A_62, %scan3A_63 : i32
      %scan3A_65 = arith.constant 4 : i32
      scf.for %scan3A_70 = %scan3A_62 to %scan3A_64 step %scan3A_65  : i32 {
        %dma_start3A = arith.constant 0 : i32
        %dma_start3A_71 = tpu.memref_slice %arg9[%scan3A_70, %dma_start3A] : memref<80x128xf32, #tpu.memory_space<vmem>> -> memref<1x128xf32, #tpu.memory_space<vmem>>
        %dma_start3A_72 = tpu.memref_squeeze %dma_start3A_71 : memref<1x128xf32, #tpu.memory_space<vmem>> -> memref<128xf32, #tpu.memory_space<vmem>>
        %dma_start3A_73 = arith.constant 0 : i32
        %dma_start3A_74 = tpu.memref_slice %arg8[%scan3A_70, %dma_start3A_73] : memref<80x128xi32, #tpu.memory_space<vmem>> -> memref<1x128xi32, #tpu.memory_space<vmem>>
        %dma_start3A_75 = tpu.memref_squeeze %dma_start3A_74 : memref<1x128xi32, #tpu.memory_space<vmem>> -> memref<128xi32, #tpu.memory_space<vmem>>
        %dma_start3A_76 = arith.constant 0 : i32
        %dma_start3A_77 = tpu.memref_slice %arg12[%dma_start3A_76] : memref<10240xf32, #tpu.memory_space<vmem_shared>> -> memref<10240xf32, #tpu.memory_space<vmem_shared>>
        tpu.enqueue_indirect_dma source(%dma_start3A_77 : memref<10240xf32, #tpu.memory_space<vmem_shared>>) target(%dma_start3A_72 : memref<128xf32, #tpu.memory_space<vmem>>) offsets(%dma_start3A_75 : memref<128xi32, #tpu.memory_space<vmem>>) semaphore(%arg13 : memref<!tpu.dma_semaphore, #tpu.memory_space<semaphore_mem>>)
        %scan3A_78 = arith.constant 1 : i32
        %scan3A_79 = arith.addi %scan3A_70, %scan3A_78 : i32
        %dma_start3A_80 = arith.constant 0 : i32
        %dma_start3A_81 = tpu.memref_slice %arg9[%scan3A_79, %dma_start3A_80] : memref<80x128xf32, #tpu.memory_space<vmem>> -> memref<1x128xf32, #tpu.memory_space<vmem>>
        %dma_start3A_82 = tpu.memref_squeeze %dma_start3A_81 : memref<1x128xf32, #tpu.memory_space<vmem>> -> memref<128xf32, #tpu.memory_space<vmem>>
        %dma_start3A_83 = arith.constant 0 : i32
        %dma_start3A_84 = tpu.memref_slice %arg8[%scan3A_79, %dma_start3A_83] : memref<80x128xi32, #tpu.memory_space<vmem>> -> memref<1x128xi32, #tpu.memory_space<vmem>>
        %dma_start3A_85 = tpu.memref_squeeze %dma_start3A_84 : memref<1x128xi32, #tpu.memory_space<vmem>> -> memref<128xi32, #tpu.memory_space<vmem>>
        %dma_start3A_86 = arith.constant 0 : i32
        %dma_start3A_87 = tpu.memref_slice %arg12[%dma_start3A_86] : memref<10240xf32, #tpu.memory_space<vmem_shared>> -> memref<10240xf32, #tpu.memory_space<vmem_shared>>
        tpu.enqueue_indirect_dma source(%dma_start3A_87 : memref<10240xf32, #tpu.memory_space<vmem_shared>>) target(%dma_start3A_82 : memref<128xf32, #tpu.memory_space<vmem>>) offsets(%dma_start3A_85 : memref<128xi32, #tpu.memory_space<vmem>>) semaphore(%arg13 : memref<!tpu.dma_semaphore, #tpu.memory_space<semaphore_mem>>)
        %scan3A_88 = arith.constant 2 : i32
        %scan3A_89 = arith.addi %scan3A_70, %scan3A_88 : i32
        %dma_start3A_90 = arith.constant 0 : i32
        %dma_start3A_91 = tpu.memref_slice %arg9[%scan3A_89, %dma_start3A_90] : memref<80x128xf32, #tpu.memory_space<vmem>> -> memref<1x128xf32, #tpu.memory_space<vmem>>
        %dma_start3A_92 = tpu.memref_squeeze %dma_start3A_91 : memref<1x128xf32, #tpu.memory_space<vmem>> -> memref<128xf32, #tpu.memory_space<vmem>>
        %dma_start3A_93 = arith.constant 0 : i32
        %dma_start3A_94 = tpu.memref_slice %arg8[%scan3A_89, %dma_start3A_93] : memref<80x128xi32, #tpu.memory_space<vmem>> -> memref<1x128xi32, #tpu.memory_space<vmem>>
        %dma_start3A_95 = tpu.memref_squeeze %dma_start3A_94 : memref<1x128xi32, #tpu.memory_space<vmem>> -> memref<128xi32, #tpu.memory_space<vmem>>
        %dma_start3A_96 = arith.constant 0 : i32
        %dma_start3A_97 = tpu.memref_slice %arg12[%dma_start3A_96] : memref<10240xf32, #tpu.memory_space<vmem_shared>> -> memref<10240xf32, #tpu.memory_space<vmem_shared>>
        tpu.enqueue_indirect_dma source(%dma_start3A_97 : memref<10240xf32, #tpu.memory_space<vmem_shared>>) target(%dma_start3A_92 : memref<128xf32, #tpu.memory_space<vmem>>) offsets(%dma_start3A_95 : memref<128xi32, #tpu.memory_space<vmem>>) semaphore(%arg13 : memref<!tpu.dma_semaphore, #tpu.memory_space<semaphore_mem>>)
        %scan3A_98 = arith.constant 3 : i32
        %scan3A_99 = arith.addi %scan3A_70, %scan3A_98 : i32
        %dma_start3A_100 = arith.constant 0 : i32
        %dma_start3A_101 = tpu.memref_slice %arg9[%scan3A_99, %dma_start3A_100] : memref<80x128xf32, #tpu.memory_space<vmem>> -> memref<1x128xf32, #tpu.memory_space<vmem>>
        %dma_start3A_102 = tpu.memref_squeeze %dma_start3A_101 : memref<1x128xf32, #tpu.memory_space<vmem>> -> memref<128xf32, #tpu.memory_space<vmem>>
        %dma_start3A_103 = arith.constant 0 : i32
        %dma_start3A_104 = tpu.memref_slice %arg8[%scan3A_99, %dma_start3A_103] : memref<80x128xi32, #tpu.memory_space<vmem>> -> memref<1x128xi32, #tpu.memory_space<vmem>>
        %dma_start3A_105 = tpu.memref_squeeze %dma_start3A_104 : memref<1x128xi32, #tpu.memory_space<vmem>> -> memref<128xi32, #tpu.memory_space<vmem>>
        %dma_start3A_106 = arith.constant 0 : i32
        %dma_start3A_107 = tpu.memref_slice %arg12[%dma_start3A_106] : memref<10240xf32, #tpu.memory_space<vmem_shared>> -> memref<10240xf32, #tpu.memory_space<vmem_shared>>
        tpu.enqueue_indirect_dma source(%dma_start3A_107 : memref<10240xf32, #tpu.memory_space<vmem_shared>>) target(%dma_start3A_102 : memref<128xf32, #tpu.memory_space<vmem>>) offsets(%dma_start3A_105 : memref<128xi32, #tpu.memory_space<vmem>>) semaphore(%arg13 : memref<!tpu.dma_semaphore, #tpu.memory_space<semaphore_mem>>)
      }
      %scan3A_66 = arith.constant 60 : i32
      %dma_wait3A = arith.constant 0 : i32
      %dma_wait3A_67 = tpu.memref_slice %arg2[%dma_wait3A] : memref<320000xf32, #tpu.memory_space<hbm>> -> memref<10240xf32, #tpu.memory_space<hbm>>
      %dma_wait3A_68 = arith.constant 0 : i32
      %dma_wait3A_69 = tpu.memref_slice %arg2[%dma_wait3A_68] : memref<320000xf32, #tpu.memory_space<hbm>> -> memref<10240xf32, #tpu.memory_space<hbm>>
      tpu.wait_dma2 semaphore(%arg13 : memref<!tpu.dma_semaphore, #tpu.memory_space<semaphore_mem>>) src(%dma_wait3A_69 : memref<10240xf32, #tpu.memory_space<hbm>>) dst(%arg7 : memref<10240xf32, #tpu.memory_space<vmem>>)
    } else {
    }
    %eq3A_40 = arith.constant 31 : i32
    %eq3A_41 = arith.cmpi eq, %add3A, %eq3A_40 : i32
    %convert_element_type3A_42 = arith.extui %eq3A_41 : i1 to i32
    %cond3A_43 = arith.constant 0 : i32
    %cond3A_44 = arith.cmpi ne, %convert_element_type3A_42, %cond3A_43 : i32
    scf.if %cond3A_44 {
      %dma_wait3A = arith.constant 0 : i32
      %dma_wait3A_61 = tpu.memref_slice %arg7[%dma_wait3A] : memref<10240xf32, #tpu.memory_space<vmem>> -> memref<2560xf32, #tpu.memory_space<vmem>>
      %dma_wait3A_62 = arith.constant 0 : i32
      %dma_wait3A_63 = tpu.memref_slice %arg2[%dma_wait3A_62] : memref<320000xf32, #tpu.memory_space<hbm>> -> memref<2560xf32, #tpu.memory_space<hbm>>
      %dma_wait3A_64 = arith.constant 0 : i32
      %dma_wait3A_65 = tpu.memref_slice %arg7[%dma_wait3A_64] : memref<10240xf32, #tpu.memory_space<vmem>> -> memref<2560xf32, #tpu.memory_space<vmem>>
      %dma_wait3A_66 = arith.constant 0 : i32
      %dma_wait3A_67 = tpu.memref_slice %arg2[%dma_wait3A_66] : memref<320000xf32, #tpu.memory_space<hbm>> -> memref<2560xf32, #tpu.memory_space<hbm>>
      tpu.wait_dma2 semaphore(%arg13 : memref<!tpu.dma_semaphore, #tpu.memory_space<semaphore_mem>>) src(%dma_wait3A_67 : memref<2560xf32, #tpu.memory_space<hbm>>) dst(%dma_wait3A_65 : memref<2560xf32, #tpu.memory_space<vmem>>)
    } else {
    }
    %scan3A_45 = arith.constant 0 : i32
    %scan3A_46 = arith.constant 0 : i32
    %scan3A_47 = arith.constant 160 : i32
    %scan3A_48 = arith.addi %scan3A_46, %scan3A_47 : i32
    %scan3A_49 = arith.constant 4 : i32
    scf.for %scan3A_61 = %scan3A_46 to %scan3A_48 step %scan3A_49  : i32 {
      %jit3A = arith.constant 8 : i32
      %div3A = arith.divsi %scan3A_61, %jit3A : i32
      %sign3A = arith.constant 0 : i32
      %sign3A_62 = arith.cmpi sgt, %scan3A_61, %sign3A : i32
      %sign3A_63 = arith.extui %sign3A_62 : i1 to i32
      %sign3A_64 = arith.constant 0 : i32
      %sign3A_65 = arith.cmpi slt, %scan3A_61, %sign3A_64 : i32
      %sign3A_66 = arith.extui %sign3A_65 : i1 to i32
      %sign3A_67 = arith.subi %sign3A_63, %sign3A_66 : i32
      %sign3A_68 = arith.constant 0 : i32
      %sign3A_69 = arith.cmpi sgt, %jit3A, %sign3A_68 : i32
      %sign3A_70 = arith.extui %sign3A_69 : i1 to i32
      %sign3A_71 = arith.constant 0 : i32
      %sign3A_72 = arith.cmpi slt, %jit3A, %sign3A_71 : i32
      %sign3A_73 = arith.extui %sign3A_72 : i1 to i32
      %sign3A_74 = arith.subi %sign3A_70, %sign3A_73 : i32
      %ne3A = arith.cmpi ne, %sign3A_67, %sign3A_74 : i32
      %rem3A = arith.remsi %scan3A_61, %jit3A : i32
      %ne3A_75 = arith.constant 0 : i32
      %ne3A_76 = arith.cmpi ne, %rem3A, %ne3A_75 : i32
      %and3A = arith.andi %ne3A, %ne3A_76 : i1
      %sub3A = arith.constant 1 : i32
      %sub3A_77 = arith.subi %div3A, %sub3A : i32
      %select_n3A = arith.select %and3A, %sub3A_77, %div3A : i32
      %jit3A_78 = arith.constant 8 : i32
      %eq3A_79 = arith.constant 0 : i32
      %eq3A_80 = arith.cmpi eq, %jit3A_78, %eq3A_79 : i32
      %jit3A_81 = arith.constant 1 : i32
      %select_n3A_82 = arith.select %eq3A_80, %jit3A_81, %jit3A_78 : i32
      %rem3A_83 = arith.remsi %scan3A_61, %select_n3A_82 : i32
      %ne3A_84 = arith.constant 0 : i32
      %ne3A_85 = arith.cmpi ne, %rem3A_83, %ne3A_84 : i32
      %lt3A_86 = arith.constant 0 : i32
      %lt3A_87 = arith.cmpi slt, %rem3A_83, %lt3A_86 : i32
      %lt3A_88 = arith.constant 0 : i32
      %lt3A_89 = arith.cmpi slt, %select_n3A_82, %lt3A_88 : i32
      %ne3A_90 = arith.xori %lt3A_87, %lt3A_89 : i1
      %and3A_91 = arith.andi %ne3A_90, %ne3A_85 : i1
      %add3A_92 = arith.addi %rem3A_83, %select_n3A_82 : i32
      %select_n3A_93 = arith.select %and3A_91, %add3A_92, %rem3A_83 : i32
      %mul3A_94 = arith.constant 16 : i32
      %mul3A_95 = arith.muli %select_n3A_93, %mul3A_94 : i32
      %get3A = arith.index_cast %select_n3A : i32 to index
      %get3A_96 = arith.index_cast %mul3A_95 : i32 to index
      %get3A_97 = tpu.vector_load %arg9[%get3A, %get3A_96] {strides = array<i32>} : memref<80x128xf32, #tpu.memory_space<vmem>>, vector<1x16xf32>,
      %get3A_98 = vector.shape_cast %get3A_97 : vector<1x16xf32> to vector<16xf32>
      %mul3A_99 = arith.constant 16 : i32
      %mul3A_100 = arith.muli %scan3A_61, %mul3A_99 : i32
      %get3A_101 = arith.index_cast %mul3A_100 : i32 to index
      %get3A_102 = tpu.vector_load %arg7[%get3A_101] {strides = array<i32>} : memref<10240xf32, #tpu.memory_space<vmem>>, vector<16xf32>,
      %get3A_103 = vector.shape_cast %get3A_102 : vector<16xf32> to vector<16xf32>
      %div3A_104 = arith.divf %get3A_103, %get3A_98 : vector<16xf32>
      %mul3A_105 = arith.constant 16 : i32
      %mul3A_106 = arith.muli %scan3A_61, %mul3A_105 : i32
      %swap3A = arith.index_cast %mul3A_106 : i32 to index
      %swap3A_107 = tpu.vector_load %arg7[%swap3A] {strides = array<i32>} : memref<10240xf32, #tpu.memory_space<vmem>>, vector<16xf32>,
      %swap3A_108 = vector.shape_cast %swap3A_107 : vector<16xf32> to vector<16xf32>
      %swap3A_109 = vector.shape_cast %div3A_104 : vector<16xf32> to vector<16xf32>
      tpu.vector_store %arg7[%swap3A], %swap3A_109 {strides = array<i32>} : memref<10240xf32, #tpu.memory_space<vmem>>, vector<16xf32>,
      %scan3A_110 = arith.constant 1 : i32
      %scan3A_111 = arith.addi %scan3A_61, %scan3A_110 : i32
      %jit3A_112 = arith.constant 8 : i32
      %div3A_113 = arith.divsi %scan3A_111, %jit3A_112 : i32
      %sign3A_114 = arith.constant 0 : i32
      %sign3A_115 = arith.cmpi sgt, %scan3A_111, %sign3A_114 : i32
      %sign3A_116 = arith.extui %sign3A_115 : i1 to i32
      %sign3A_117 = arith.constant 0 : i32
      %sign3A_118 = arith.cmpi slt, %scan3A_111, %sign3A_117 : i32
      %sign3A_119 = arith.extui %sign3A_118 : i1 to i32
      %sign3A_120 = arith.subi %sign3A_116, %sign3A_119 : i32
      %sign3A_121 = arith.constant 0 : i32
      %sign3A_122 = arith.cmpi sgt, %jit3A_112, %sign3A_121 : i32
      %sign3A_123 = arith.extui %sign3A_122 : i1 to i32
      %sign3A_124 = arith.constant 0 : i32
      %sign3A_125 = arith.cmpi slt, %jit3A_112, %sign3A_124 : i32
      %sign3A_126 = arith.extui %sign3A_125 : i1 to i32
      %sign3A_127 = arith.subi %sign3A_123, %sign3A_126 : i32
      %ne3A_128 = arith.cmpi ne, %sign3A_120, %sign3A_127 : i32
      %rem3A_129 = arith.remsi %scan3A_111, %jit3A_112 : i32
      %ne3A_130 = arith.constant 0 : i32
      %ne3A_131 = arith.cmpi ne, %rem3A_129, %ne3A_130 : i32
      %and3A_132 = arith.andi %ne3A_128, %ne3A_131 : i1
      %sub3A_133 = arith.constant 1 : i32
      %sub3A_134 = arith.subi %div3A_113, %sub3A_133 : i32
      %select_n3A_135 = arith.select %and3A_132, %sub3A_134, %div3A_113 : i32
      %jit3A_136 = arith.constant 8 : i32
      %eq3A_137 = arith.constant 0 : i32
      %eq3A_138 = arith.cmpi eq, %jit3A_136, %eq3A_137 : i32
      %jit3A_139 = arith.constant 1 : i32
      %select_n3A_140 = arith.select %eq3A_138, %jit3A_139, %jit3A_136 : i32
      %rem3A_141 = arith.remsi %scan3A_111, %select_n3A_140 : i32
      %ne3A_142 = arith.constant 0 : i32
      %ne3A_143 = arith.cmpi ne, %rem3A_141, %ne3A_142 : i32
      %lt3A_144 = arith.constant 0 : i32
      %lt3A_145 = arith.cmpi slt, %rem3A_141, %lt3A_144 : i32
      %lt3A_146 = arith.constant 0 : i32
      %lt3A_147 = arith.cmpi slt, %select_n3A_140, %lt3A_146 : i32
      %ne3A_148 = arith.xori %lt3A_145, %lt3A_147 : i1
      %and3A_149 = arith.andi %ne3A_148, %ne3A_143 : i1
      %add3A_150 = arith.addi %rem3A_141, %select_n3A_140 : i32
      %select_n3A_151 = arith.select %and3A_149, %add3A_150, %rem3A_141 : i32
      %mul3A_152 = arith.constant 16 : i32
      %mul3A_153 = arith.muli %select_n3A_151, %mul3A_152 : i32
      %get3A_154 = arith.index_cast %select_n3A_135 : i32 to index
      %get3A_155 = arith.index_cast %mul3A_153 : i32 to index
      %get3A_156 = tpu.vector_load %arg9[%get3A_154, %get3A_155] {strides = array<i32>} : memref<80x128xf32, #tpu.memory_space<vmem>>, vector<1x16xf32>,
      %get3A_157 = vector.shape_cast %get3A_156 : vector<1x16xf32> to vector<16xf32>
      %mul3A_158 = arith.constant 16 : i32
      %mul3A_159 = arith.muli %scan3A_111, %mul3A_158 : i32
      %get3A_160 = arith.index_cast %mul3A_159 : i32 to index
      %get3A_161 = tpu.vector_load %arg7[%get3A_160] {strides = array<i32>} : memref<10240xf32, #tpu.memory_space<vmem>>, vector<16xf32>,
      %get3A_162 = vector.shape_cast %get3A_161 : vector<16xf32> to vector<16xf32>
      %div3A_163 = arith.divf %get3A_162, %get3A_157 : vector<16xf32>
      %mul3A_164 = arith.constant 16 : i32
      %mul3A_165 = arith.muli %scan3A_111, %mul3A_164 : i32
      %swap3A_166 = arith.index_cast %mul3A_165 : i32 to index
      %swap3A_167 = tpu.vector_load %arg7[%swap3A_166] {strides = array<i32>} : memref<10240xf32, #tpu.memory_space<vmem>>, vector<16xf32>,
      %swap3A_168 = vector.shape_cast %swap3A_167 : vector<16xf32> to vector<16xf32>
      %swap3A_169 = vector.shape_cast %div3A_163 : vector<16xf32> to vector<16xf32>
      tpu.vector_store %arg7[%swap3A_166], %swap3A_169 {strides = array<i32>} : memref<10240xf32, #tpu.memory_space<vmem>>, vector<16xf32>,
      %scan3A_170 = arith.constant 2 : i32
      %scan3A_171 = arith.addi %scan3A_61, %scan3A_170 : i32
      %jit3A_172 = arith.constant 8 : i32
      %div3A_173 = arith.divsi %scan3A_171, %jit3A_172 : i32
      %sign3A_174 = arith.constant 0 : i32
      %sign3A_175 = arith.cmpi sgt, %scan3A_171, %sign3A_174 : i32
      %sign3A_176 = arith.extui %sign3A_175 : i1 to i32
      %sign3A_177 = arith.constant 0 : i32
      %sign3A_178 = arith.cmpi slt, %scan3A_171, %sign3A_177 : i32
      %sign3A_179 = arith.extui %sign3A_178 : i1 to i32
      %sign3A_180 = arith.subi %sign3A_176, %sign3A_179 : i32
      %sign3A_181 = arith.constant 0 : i32
      %sign3A_182 = arith.cmpi sgt, %jit3A_172, %sign3A_181 : i32
      %sign3A_183 = arith.extui %sign3A_182 : i1 to i32
      %sign3A_184 = arith.constant 0 : i32
      %sign3A_185 = arith.cmpi slt, %jit3A_172, %sign3A_184 : i32
      %sign3A_186 = arith.extui %sign3A_185 : i1 to i32
      %sign3A_187 = arith.subi %sign3A_183, %sign3A_186 : i32
      %ne3A_188 = arith.cmpi ne, %sign3A_180, %sign3A_187 : i32
      %rem3A_189 = arith.remsi %scan3A_171, %jit3A_172 : i32
      %ne3A_190 = arith.constant 0 : i32
      %ne3A_191 = arith.cmpi ne, %rem3A_189, %ne3A_190 : i32
      %and3A_192 = arith.andi %ne3A_188, %ne3A_191 : i1
      %sub3A_193 = arith.constant 1 : i32
      %sub3A_194 = arith.subi %div3A_173, %sub3A_193 : i32
      %select_n3A_195 = arith.select %and3A_192, %sub3A_194, %div3A_173 : i32
      %jit3A_196 = arith.constant 8 : i32
      %eq3A_197 = arith.constant 0 : i32
      %eq3A_198 = arith.cmpi eq, %jit3A_196, %eq3A_197 : i32
      %jit3A_199 = arith.constant 1 : i32
      %select_n3A_200 = arith.select %eq3A_198, %jit3A_199, %jit3A_196 : i32
      %rem3A_201 = arith.remsi %scan3A_171, %select_n3A_200 : i32
      %ne3A_202 = arith.constant 0 : i32
      %ne3A_203 = arith.cmpi ne, %rem3A_201, %ne3A_202 : i32
      %lt3A_204 = arith.constant 0 : i32
      %lt3A_205 = arith.cmpi slt, %rem3A_201, %lt3A_204 : i32
      %lt3A_206 = arith.constant 0 : i32
      %lt3A_207 = arith.cmpi slt, %select_n3A_200, %lt3A_206 : i32
      %ne3A_208 = arith.xori %lt3A_205, %lt3A_207 : i1
      %and3A_209 = arith.andi %ne3A_208, %ne3A_203 : i1
      %add3A_210 = arith.addi %rem3A_201, %select_n3A_200 : i32
      %select_n3A_211 = arith.select %and3A_209, %add3A_210, %rem3A_201 : i32
      %mul3A_212 = arith.constant 16 : i32
      %mul3A_213 = arith.muli %select_n3A_211, %mul3A_212 : i32
      %get3A_214 = arith.index_cast %select_n3A_195 : i32 to index
      %get3A_215 = arith.index_cast %mul3A_213 : i32 to index
      %get3A_216 = tpu.vector_load %arg9[%get3A_214, %get3A_215] {strides = array<i32>} : memref<80x128xf32, #tpu.memory_space<vmem>>, vector<1x16xf32>,
      %get3A_217 = vector.shape_cast %get3A_216 : vector<1x16xf32> to vector<16xf32>
      %mul3A_218 = arith.constant 16 : i32
      %mul3A_219 = arith.muli %scan3A_171, %mul3A_218 : i32
      %get3A_220 = arith.index_cast %mul3A_219 : i32 to index
      %get3A_221 = tpu.vector_load %arg7[%get3A_220] {strides = array<i32>} : memref<10240xf32, #tpu.memory_space<vmem>>, vector<16xf32>,
      %get3A_222 = vector.shape_cast %get3A_221 : vector<16xf32> to vector<16xf32>
      %div3A_223 = arith.divf %get3A_222, %get3A_217 : vector<16xf32>
      %mul3A_224 = arith.constant 16 : i32
      %mul3A_225 = arith.muli %scan3A_171, %mul3A_224 : i32
      %swap3A_226 = arith.index_cast %mul3A_225 : i32 to index
      %swap3A_227 = tpu.vector_load %arg7[%swap3A_226] {strides = array<i32>} : memref<10240xf32, #tpu.memory_space<vmem>>, vector<16xf32>,
      %swap3A_228 = vector.shape_cast %swap3A_227 : vector<16xf32> to vector<16xf32>
      %swap3A_229 = vector.shape_cast %div3A_223 : vector<16xf32> to vector<16xf32>
      tpu.vector_store %arg7[%swap3A_226], %swap3A_229 {strides = array<i32>} : memref<10240xf32, #tpu.memory_space<vmem>>, vector<16xf32>,
      %scan3A_230 = arith.constant 3 : i32
      %scan3A_231 = arith.addi %scan3A_61, %scan3A_230 : i32
      %jit3A_232 = arith.constant 8 : i32
      %div3A_233 = arith.divsi %scan3A_231, %jit3A_232 : i32
      %sign3A_234 = arith.constant 0 : i32
      %sign3A_235 = arith.cmpi sgt, %scan3A_231, %sign3A_234 : i32
      %sign3A_236 = arith.extui %sign3A_235 : i1 to i32
      %sign3A_237 = arith.constant 0 : i32
      %sign3A_238 = arith.cmpi slt, %scan3A_231, %sign3A_237 : i32
      %sign3A_239 = arith.extui %sign3A_238 : i1 to i32
      %sign3A_240 = arith.subi %sign3A_236, %sign3A_239 : i32
      %sign3A_241 = arith.constant 0 : i32
      %sign3A_242 = arith.cmpi sgt, %jit3A_232, %sign3A_241 : i32
      %sign3A_243 = arith.extui %sign3A_242 : i1 to i32
      %sign3A_244 = arith.constant 0 : i32
      %sign3A_245 = arith.cmpi slt, %jit3A_232, %sign3A_244 : i32
      %sign3A_246 = arith.extui %sign3A_245 : i1 to i32
      %sign3A_247 = arith.subi %sign3A_243, %sign3A_246 : i32
      %ne3A_248 = arith.cmpi ne, %sign3A_240, %sign3A_247 : i32
      %rem3A_249 = arith.remsi %scan3A_231, %jit3A_232 : i32
      %ne3A_250 = arith.constant 0 : i32
      %ne3A_251 = arith.cmpi ne, %rem3A_249, %ne3A_250 : i32
      %and3A_252 = arith.andi %ne3A_248, %ne3A_251 : i1
      %sub3A_253 = arith.constant 1 : i32
      %sub3A_254 = arith.subi %div3A_233, %sub3A_253 : i32
      %select_n3A_255 = arith.select %and3A_252, %sub3A_254, %div3A_233 : i32
      %jit3A_256 = arith.constant 8 : i32
      %eq3A_257 = arith.constant 0 : i32
      %eq3A_258 = arith.cmpi eq, %jit3A_256, %eq3A_257 : i32
      %jit3A_259 = arith.constant 1 : i32
      %select_n3A_260 = arith.select %eq3A_258, %jit3A_259, %jit3A_256 : i32
      %rem3A_261 = arith.remsi %scan3A_231, %select_n3A_260 : i32
      %ne3A_262 = arith.constant 0 : i32
      %ne3A_263 = arith.cmpi ne, %rem3A_261, %ne3A_262 : i32
      %lt3A_264 = arith.constant 0 : i32
      %lt3A_265 = arith.cmpi slt, %rem3A_261, %lt3A_264 : i32
      %lt3A_266 = arith.constant 0 : i32
      %lt3A_267 = arith.cmpi slt, %select_n3A_260, %lt3A_266 : i32
      %ne3A_268 = arith.xori %lt3A_265, %lt3A_267 : i1
      %and3A_269 = arith.andi %ne3A_268, %ne3A_263 : i1
      %add3A_270 = arith.addi %rem3A_261, %select_n3A_260 : i32
      %select_n3A_271 = arith.select %and3A_269, %add3A_270, %rem3A_261 : i32
      %mul3A_272 = arith.constant 16 : i32
      %mul3A_273 = arith.muli %select_n3A_271, %mul3A_272 : i32
      %get3A_274 = arith.index_cast %select_n3A_255 : i32 to index
      %get3A_275 = arith.index_cast %mul3A_273 : i32 to index
      %get3A_276 = tpu.vector_load %arg9[%get3A_274, %get3A_275] {strides = array<i32>} : memref<80x128xf32, #tpu.memory_space<vmem>>, vector<1x16xf32>,
      %get3A_277 = vector.shape_cast %get3A_276 : vector<1x16xf32> to vector<16xf32>
      %mul3A_278 = arith.constant 16 : i32
      %mul3A_279 = arith.muli %scan3A_231, %mul3A_278 : i32
      %get3A_280 = arith.index_cast %mul3A_279 : i32 to index
      %get3A_281 = tpu.vector_load %arg7[%get3A_280] {strides = array<i32>} : memref<10240xf32, #tpu.memory_space<vmem>>, vector<16xf32>,
      %get3A_282 = vector.shape_cast %get3A_281 : vector<16xf32> to vector<16xf32>
      %div3A_283 = arith.divf %get3A_282, %get3A_277 : vector<16xf32>
      %mul3A_284 = arith.constant 16 : i32
      %mul3A_285 = arith.muli %scan3A_231, %mul3A_284 : i32
      %swap3A_286 = arith.index_cast %mul3A_285 : i32 to index
      %swap3A_287 = tpu.vector_load %arg7[%swap3A_286] {strides = array<i32>} : memref<10240xf32, #tpu.memory_space<vmem>>, vector<16xf32>,
      %swap3A_288 = vector.shape_cast %swap3A_287 : vector<16xf32> to vector<16xf32>
      %swap3A_289 = vector.shape_cast %div3A_283 : vector<16xf32> to vector<16xf32>
      tpu.vector_store %arg7[%swap3A_286], %swap3A_289 {strides = array<i32>} : memref<10240xf32, #tpu.memory_space<vmem>>, vector<16xf32>,
    }
    %scan3A_50 = arith.constant 160 : i32
    %lt3A_51 = arith.constant 31 : i32
    %lt3A_52 = arith.cmpi slt, %add3A, %lt3A_51 : i32
    %convert_element_type3A_53 = arith.extui %lt3A_52 : i1 to i32
    %cond3A_54 = arith.constant 0 : i32
    %cond3A_55 = arith.cmpi ne, %convert_element_type3A_53, %cond3A_54 : i32
    scf.if %cond3A_55 {
      %scan3A_61 = arith.constant 0 : i32
      %scan3A_62 = arith.constant 160 : i32
      %scan3A_63 = arith.constant 480 : i32
      %scan3A_64 = arith.addi %scan3A_62, %scan3A_63 : i32
      %scan3A_65 = arith.constant 4 : i32
      scf.for %scan3A_69 = %scan3A_62 to %scan3A_64 step %scan3A_65  : i32 {
        %jit3A = arith.constant 8 : i32
        %div3A = arith.divsi %scan3A_69, %jit3A : i32
        %sign3A = arith.constant 0 : i32
        %sign3A_70 = arith.cmpi sgt, %scan3A_69, %sign3A : i32
        %sign3A_71 = arith.extui %sign3A_70 : i1 to i32
        %sign3A_72 = arith.constant 0 : i32
        %sign3A_73 = arith.cmpi slt, %scan3A_69, %sign3A_72 : i32
        %sign3A_74 = arith.extui %sign3A_73 : i1 to i32
        %sign3A_75 = arith.subi %sign3A_71, %sign3A_74 : i32
        %sign3A_76 = arith.constant 0 : i32
        %sign3A_77 = arith.cmpi sgt, %jit3A, %sign3A_76 : i32
        %sign3A_78 = arith.extui %sign3A_77 : i1 to i32
        %sign3A_79 = arith.constant 0 : i32
        %sign3A_80 = arith.cmpi slt, %jit3A, %sign3A_79 : i32
        %sign3A_81 = arith.extui %sign3A_80 : i1 to i32
        %sign3A_82 = arith.subi %sign3A_78, %sign3A_81 : i32
        %ne3A = arith.cmpi ne, %sign3A_75, %sign3A_82 : i32
        %rem3A = arith.remsi %scan3A_69, %jit3A : i32
        %ne3A_83 = arith.constant 0 : i32
        %ne3A_84 = arith.cmpi ne, %rem3A, %ne3A_83 : i32
        %and3A = arith.andi %ne3A, %ne3A_84 : i1
        %sub3A = arith.constant 1 : i32
        %sub3A_85 = arith.subi %div3A, %sub3A : i32
        %select_n3A = arith.select %and3A, %sub3A_85, %div3A : i32
        %jit3A_86 = arith.constant 8 : i32
        %eq3A_87 = arith.constant 0 : i32
        %eq3A_88 = arith.cmpi eq, %jit3A_86, %eq3A_87 : i32
        %jit3A_89 = arith.constant 1 : i32
        %select_n3A_90 = arith.select %eq3A_88, %jit3A_89, %jit3A_86 : i32
        %rem3A_91 = arith.remsi %scan3A_69, %select_n3A_90 : i32
        %ne3A_92 = arith.constant 0 : i32
        %ne3A_93 = arith.cmpi ne, %rem3A_91, %ne3A_92 : i32
        %lt3A_94 = arith.constant 0 : i32
        %lt3A_95 = arith.cmpi slt, %rem3A_91, %lt3A_94 : i32
        %lt3A_96 = arith.constant 0 : i32
        %lt3A_97 = arith.cmpi slt, %select_n3A_90, %lt3A_96 : i32
        %ne3A_98 = arith.xori %lt3A_95, %lt3A_97 : i1
        %and3A_99 = arith.andi %ne3A_98, %ne3A_93 : i1
        %add3A_100 = arith.addi %rem3A_91, %select_n3A_90 : i32
        %select_n3A_101 = arith.select %and3A_99, %add3A_100, %rem3A_91 : i32
        %mul3A_102 = arith.constant 16 : i32
        %mul3A_103 = arith.muli %select_n3A_101, %mul3A_102 : i32
        %get3A = arith.index_cast %select_n3A : i32 to index
        %get3A_104 = arith.index_cast %mul3A_103 : i32 to index
        %get3A_105 = tpu.vector_load %arg9[%get3A, %get3A_104] {strides = array<i32>} : memref<80x128xf32, #tpu.memory_space<vmem>>, vector<1x16xf32>,
        %get3A_106 = vector.shape_cast %get3A_105 : vector<1x16xf32> to vector<16xf32>
        %mul3A_107 = arith.constant 16 : i32
        %mul3A_108 = arith.muli %scan3A_69, %mul3A_107 : i32
        %get3A_109 = arith.index_cast %mul3A_108 : i32 to index
        %get3A_110 = tpu.vector_load %arg7[%get3A_109] {strides = array<i32>} : memref<10240xf32, #tpu.memory_space<vmem>>, vector<16xf32>,
        %get3A_111 = vector.shape_cast %get3A_110 : vector<16xf32> to vector<16xf32>
        %div3A_112 = arith.divf %get3A_111, %get3A_106 : vector<16xf32>
        %mul3A_113 = arith.constant 16 : i32
        %mul3A_114 = arith.muli %scan3A_69, %mul3A_113 : i32
        %swap3A = arith.index_cast %mul3A_114 : i32 to index
        %swap3A_115 = tpu.vector_load %arg7[%swap3A] {strides = array<i32>} : memref<10240xf32, #tpu.memory_space<vmem>>, vector<16xf32>,
        %swap3A_116 = vector.shape_cast %swap3A_115 : vector<16xf32> to vector<16xf32>
        %swap3A_117 = vector.shape_cast %div3A_112 : vector<16xf32> to vector<16xf32>
        tpu.vector_store %arg7[%swap3A], %swap3A_117 {strides = array<i32>} : memref<10240xf32, #tpu.memory_space<vmem>>, vector<16xf32>,
        %scan3A_118 = arith.constant 1 : i32
        %scan3A_119 = arith.addi %scan3A_69, %scan3A_118 : i32
        %jit3A_120 = arith.constant 8 : i32
        %div3A_121 = arith.divsi %scan3A_119, %jit3A_120 : i32
        %sign3A_122 = arith.constant 0 : i32
        %sign3A_123 = arith.cmpi sgt, %scan3A_119, %sign3A_122 : i32
        %sign3A_124 = arith.extui %sign3A_123 : i1 to i32
        %sign3A_125 = arith.constant 0 : i32
        %sign3A_126 = arith.cmpi slt, %scan3A_119, %sign3A_125 : i32
        %sign3A_127 = arith.extui %sign3A_126 : i1 to i32
        %sign3A_128 = arith.subi %sign3A_124, %sign3A_127 : i32
        %sign3A_129 = arith.constant 0 : i32
        %sign3A_130 = arith.cmpi sgt, %jit3A_120, %sign3A_129 : i32
        %sign3A_131 = arith.extui %sign3A_130 : i1 to i32
        %sign3A_132 = arith.constant 0 : i32
        %sign3A_133 = arith.cmpi slt, %jit3A_120, %sign3A_132 : i32
        %sign3A_134 = arith.extui %sign3A_133 : i1 to i32
        %sign3A_135 = arith.subi %sign3A_131, %sign3A_134 : i32
        %ne3A_136 = arith.cmpi ne, %sign3A_128, %sign3A_135 : i32
        %rem3A_137 = arith.remsi %scan3A_119, %jit3A_120 : i32
        %ne3A_138 = arith.constant 0 : i32
        %ne3A_139 = arith.cmpi ne, %rem3A_137, %ne3A_138 : i32
        %and3A_140 = arith.andi %ne3A_136, %ne3A_139 : i1
        %sub3A_141 = arith.constant 1 : i32
        %sub3A_142 = arith.subi %div3A_121, %sub3A_141 : i32
        %select_n3A_143 = arith.select %and3A_140, %sub3A_142, %div3A_121 : i32
        %jit3A_144 = arith.constant 8 : i32
        %eq3A_145 = arith.constant 0 : i32
        %eq3A_146 = arith.cmpi eq, %jit3A_144, %eq3A_145 : i32
        %jit3A_147 = arith.constant 1 : i32
        %select_n3A_148 = arith.select %eq3A_146, %jit3A_147, %jit3A_144 : i32
        %rem3A_149 = arith.remsi %scan3A_119, %select_n3A_148 : i32
        %ne3A_150 = arith.constant 0 : i32
        %ne3A_151 = arith.cmpi ne, %rem3A_149, %ne3A_150 : i32
        %lt3A_152 = arith.constant 0 : i32
        %lt3A_153 = arith.cmpi slt, %rem3A_149, %lt3A_152 : i32
        %lt3A_154 = arith.constant 0 : i32
        %lt3A_155 = arith.cmpi slt, %select_n3A_148, %lt3A_154 : i32
        %ne3A_156 = arith.xori %lt3A_153, %lt3A_155 : i1
        %and3A_157 = arith.andi %ne3A_156, %ne3A_151 : i1
        %add3A_158 = arith.addi %rem3A_149, %select_n3A_148 : i32
        %select_n3A_159 = arith.select %and3A_157, %add3A_158, %rem3A_149 : i32
        %mul3A_160 = arith.constant 16 : i32
        %mul3A_161 = arith.muli %select_n3A_159, %mul3A_160 : i32
        %get3A_162 = arith.index_cast %select_n3A_143 : i32 to index
        %get3A_163 = arith.index_cast %mul3A_161 : i32 to index
        %get3A_164 = tpu.vector_load %arg9[%get3A_162, %get3A_163] {strides = array<i32>} : memref<80x128xf32, #tpu.memory_space<vmem>>, vector<1x16xf32>,
        %get3A_165 = vector.shape_cast %get3A_164 : vector<1x16xf32> to vector<16xf32>
        %mul3A_166 = arith.constant 16 : i32
        %mul3A_167 = arith.muli %scan3A_119, %mul3A_166 : i32
        %get3A_168 = arith.index_cast %mul3A_167 : i32 to index
        %get3A_169 = tpu.vector_load %arg7[%get3A_168] {strides = array<i32>} : memref<10240xf32, #tpu.memory_space<vmem>>, vector<16xf32>,
        %get3A_170 = vector.shape_cast %get3A_169 : vector<16xf32> to vector<16xf32>
        %div3A_171 = arith.divf %get3A_170, %get3A_165 : vector<16xf32>
        %mul3A_172 = arith.constant 16 : i32
        %mul3A_173 = arith.muli %scan3A_119, %mul3A_172 : i32
        %swap3A_174 = arith.index_cast %mul3A_173 : i32 to index
        %swap3A_175 = tpu.vector_load %arg7[%swap3A_174] {strides = array<i32>} : memref<10240xf32, #tpu.memory_space<vmem>>, vector<16xf32>,
        %swap3A_176 = vector.shape_cast %swap3A_175 : vector<16xf32> to vector<16xf32>
        %swap3A_177 = vector.shape_cast %div3A_171 : vector<16xf32> to vector<16xf32>
        tpu.vector_store %arg7[%swap3A_174], %swap3A_177 {strides = array<i32>} : memref<10240xf32, #tpu.memory_space<vmem>>, vector<16xf32>,
        %scan3A_178 = arith.constant 2 : i32
        %scan3A_179 = arith.addi %scan3A_69, %scan3A_178 : i32
        %jit3A_180 = arith.constant 8 : i32
        %div3A_181 = arith.divsi %scan3A_179, %jit3A_180 : i32
        %sign3A_182 = arith.constant 0 : i32
        %sign3A_183 = arith.cmpi sgt, %scan3A_179, %sign3A_182 : i32
        %sign3A_184 = arith.extui %sign3A_183 : i1 to i32
        %sign3A_185 = arith.constant 0 : i32
        %sign3A_186 = arith.cmpi slt, %scan3A_179, %sign3A_185 : i32
        %sign3A_187 = arith.extui %sign3A_186 : i1 to i32
        %sign3A_188 = arith.subi %sign3A_184, %sign3A_187 : i32
        %sign3A_189 = arith.constant 0 : i32
        %sign3A_190 = arith.cmpi sgt, %jit3A_180, %sign3A_189 : i32
        %sign3A_191 = arith.extui %sign3A_190 : i1 to i32
        %sign3A_192 = arith.constant 0 : i32
        %sign3A_193 = arith.cmpi slt, %jit3A_180, %sign3A_192 : i32
        %sign3A_194 = arith.extui %sign3A_193 : i1 to i32
        %sign3A_195 = arith.subi %sign3A_191, %sign3A_194 : i32
        %ne3A_196 = arith.cmpi ne, %sign3A_188, %sign3A_195 : i32
        %rem3A_197 = arith.remsi %scan3A_179, %jit3A_180 : i32
        %ne3A_198 = arith.constant 0 : i32
        %ne3A_199 = arith.cmpi ne, %rem3A_197, %ne3A_198 : i32
        %and3A_200 = arith.andi %ne3A_196, %ne3A_199 : i1
        %sub3A_201 = arith.constant 1 : i32
        %sub3A_202 = arith.subi %div3A_181, %sub3A_201 : i32
        %select_n3A_203 = arith.select %and3A_200, %sub3A_202, %div3A_181 : i32
        %jit3A_204 = arith.constant 8 : i32
        %eq3A_205 = arith.constant 0 : i32
        %eq3A_206 = arith.cmpi eq, %jit3A_204, %eq3A_205 : i32
        %jit3A_207 = arith.constant 1 : i32
        %select_n3A_208 = arith.select %eq3A_206, %jit3A_207, %jit3A_204 : i32
        %rem3A_209 = arith.remsi %scan3A_179, %select_n3A_208 : i32
        %ne3A_210 = arith.constant 0 : i32
        %ne3A_211 = arith.cmpi ne, %rem3A_209, %ne3A_210 : i32
        %lt3A_212 = arith.constant 0 : i32
        %lt3A_213 = arith.cmpi slt, %rem3A_209, %lt3A_212 : i32
        %lt3A_214 = arith.constant 0 : i32
        %lt3A_215 = arith.cmpi slt, %select_n3A_208, %lt3A_214 : i32
        %ne3A_216 = arith.xori %lt3A_213, %lt3A_215 : i1
        %and3A_217 = arith.andi %ne3A_216, %ne3A_211 : i1
        %add3A_218 = arith.addi %rem3A_209, %select_n3A_208 : i32
        %select_n3A_219 = arith.select %and3A_217, %add3A_218, %rem3A_209 : i32
        %mul3A_220 = arith.constant 16 : i32
        %mul3A_221 = arith.muli %select_n3A_219, %mul3A_220 : i32
        %get3A_222 = arith.index_cast %select_n3A_203 : i32 to index
        %get3A_223 = arith.index_cast %mul3A_221 : i32 to index
        %get3A_224 = tpu.vector_load %arg9[%get3A_222, %get3A_223] {strides = array<i32>} : memref<80x128xf32, #tpu.memory_space<vmem>>, vector<1x16xf32>,
        %get3A_225 = vector.shape_cast %get3A_224 : vector<1x16xf32> to vector<16xf32>
        %mul3A_226 = arith.constant 16 : i32
        %mul3A_227 = arith.muli %scan3A_179, %mul3A_226 : i32
        %get3A_228 = arith.index_cast %mul3A_227 : i32 to index
        %get3A_229 = tpu.vector_load %arg7[%get3A_228] {strides = array<i32>} : memref<10240xf32, #tpu.memory_space<vmem>>, vector<16xf32>,
        %get3A_230 = vector.shape_cast %get3A_229 : vector<16xf32> to vector<16xf32>
        %div3A_231 = arith.divf %get3A_230, %get3A_225 : vector<16xf32>
        %mul3A_232 = arith.constant 16 : i32
        %mul3A_233 = arith.muli %scan3A_179, %mul3A_232 : i32
        %swap3A_234 = arith.index_cast %mul3A_233 : i32 to index
        %swap3A_235 = tpu.vector_load %arg7[%swap3A_234] {strides = array<i32>} : memref<10240xf32, #tpu.memory_space<vmem>>, vector<16xf32>,
        %swap3A_236 = vector.shape_cast %swap3A_235 : vector<16xf32> to vector<16xf32>
        %swap3A_237 = vector.shape_cast %div3A_231 : vector<16xf32> to vector<16xf32>
        tpu.vector_store %arg7[%swap3A_234], %swap3A_237 {strides = array<i32>} : memref<10240xf32, #tpu.memory_space<vmem>>, vector<16xf32>,
        %scan3A_238 = arith.constant 3 : i32
        %scan3A_239 = arith.addi %scan3A_69, %scan3A_238 : i32
        %jit3A_240 = arith.constant 8 : i32
        %div3A_241 = arith.divsi %scan3A_239, %jit3A_240 : i32
        %sign3A_242 = arith.constant 0 : i32
        %sign3A_243 = arith.cmpi sgt, %scan3A_239, %sign3A_242 : i32
        %sign3A_244 = arith.extui %sign3A_243 : i1 to i32
        %sign3A_245 = arith.constant 0 : i32
        %sign3A_246 = arith.cmpi slt, %scan3A_239, %sign3A_245 : i32
        %sign3A_247 = arith.extui %sign3A_246 : i1 to i32
        %sign3A_248 = arith.subi %sign3A_244, %sign3A_247 : i32
        %sign3A_249 = arith.constant 0 : i32
        %sign3A_250 = arith.cmpi sgt, %jit3A_240, %sign3A_249 : i32
        %sign3A_251 = arith.extui %sign3A_250 : i1 to i32
        %sign3A_252 = arith.constant 0 : i32
        %sign3A_253 = arith.cmpi slt, %jit3A_240, %sign3A_252 : i32
        %sign3A_254 = arith.extui %sign3A_253 : i1 to i32
        %sign3A_255 = arith.subi %sign3A_251, %sign3A_254 : i32
        %ne3A_256 = arith.cmpi ne, %sign3A_248, %sign3A_255 : i32
        %rem3A_257 = arith.remsi %scan3A_239, %jit3A_240 : i32
        %ne3A_258 = arith.constant 0 : i32
        %ne3A_259 = arith.cmpi ne, %rem3A_257, %ne3A_258 : i32
        %and3A_260 = arith.andi %ne3A_256, %ne3A_259 : i1
        %sub3A_261 = arith.constant 1 : i32
        %sub3A_262 = arith.subi %div3A_241, %sub3A_261 : i32
        %select_n3A_263 = arith.select %and3A_260, %sub3A_262, %div3A_241 : i32
        %jit3A_264 = arith.constant 8 : i32
        %eq3A_265 = arith.constant 0 : i32
        %eq3A_266 = arith.cmpi eq, %jit3A_264, %eq3A_265 : i32
        %jit3A_267 = arith.constant 1 : i32
        %select_n3A_268 = arith.select %eq3A_266, %jit3A_267, %jit3A_264 : i32
        %rem3A_269 = arith.remsi %scan3A_239, %select_n3A_268 : i32
        %ne3A_270 = arith.constant 0 : i32
        %ne3A_271 = arith.cmpi ne, %rem3A_269, %ne3A_270 : i32
        %lt3A_272 = arith.constant 0 : i32
        %lt3A_273 = arith.cmpi slt, %rem3A_269, %lt3A_272 : i32
        %lt3A_274 = arith.constant 0 : i32
        %lt3A_275 = arith.cmpi slt, %select_n3A_268, %lt3A_274 : i32
        %ne3A_276 = arith.xori %lt3A_273, %lt3A_275 : i1
        %and3A_277 = arith.andi %ne3A_276, %ne3A_271 : i1
        %add3A_278 = arith.addi %rem3A_269, %select_n3A_268 : i32
        %select_n3A_279 = arith.select %and3A_277, %add3A_278, %rem3A_269 : i32
        %mul3A_280 = arith.constant 16 : i32
        %mul3A_281 = arith.muli %select_n3A_279, %mul3A_280 : i32
        %get3A_282 = arith.index_cast %select_n3A_263 : i32 to index
        %get3A_283 = arith.index_cast %mul3A_281 : i32 to index
        %get3A_284 = tpu.vector_load %arg9[%get3A_282, %get3A_283] {strides = array<i32>} : memref<80x128xf32, #tpu.memory_space<vmem>>, vector<1x16xf32>,
        %get3A_285 = vector.shape_cast %get3A_284 : vector<1x16xf32> to vector<16xf32>
        %mul3A_286 = arith.constant 16 : i32
        %mul3A_287 = arith.muli %scan3A_239, %mul3A_286 : i32
        %get3A_288 = arith.index_cast %mul3A_287 : i32 to index
        %get3A_289 = tpu.vector_load %arg7[%get3A_288] {strides = array<i32>} : memref<10240xf32, #tpu.memory_space<vmem>>, vector<16xf32>,
        %get3A_290 = vector.shape_cast %get3A_289 : vector<16xf32> to vector<16xf32>
        %div3A_291 = arith.divf %get3A_290, %get3A_285 : vector<16xf32>
        %mul3A_292 = arith.constant 16 : i32
        %mul3A_293 = arith.muli %scan3A_239, %mul3A_292 : i32
        %swap3A_294 = arith.index_cast %mul3A_293 : i32 to index
        %swap3A_295 = tpu.vector_load %arg7[%swap3A_294] {strides = array<i32>} : memref<10240xf32, #tpu.memory_space<vmem>>, vector<16xf32>,
        %swap3A_296 = vector.shape_cast %swap3A_295 : vector<16xf32> to vector<16xf32>
        %swap3A_297 = vector.shape_cast %div3A_291 : vector<16xf32> to vector<16xf32>
        tpu.vector_store %arg7[%swap3A_294], %swap3A_297 {strides = array<i32>} : memref<10240xf32, #tpu.memory_space<vmem>>, vector<16xf32>,
      }
      %scan3A_66 = arith.constant 480 : i32
      %mul3A_67 = arith.constant 10240 : i32
      %mul3A_68 = arith.muli %add3A, %mul3A_67 : i32
      "tpu.region"() ({
        %run_scoped3A = tpu.sem_alloc : memref<!tpu.dma_semaphore, #tpu.memory_space<semaphore_mem>>
        %dma_start3A = tpu.memref_slice %arg6[%mul3A_68] : memref<320000xf32, #tpu.memory_space<hbm>> -> memref<10240xf32, #tpu.memory_space<hbm>>
        %dma_start3A_69 = tpu.memref_slice %arg6[%mul3A_68] : memref<320000xf32, #tpu.memory_space<hbm>> -> memref<10240xf32, #tpu.memory_space<hbm>>
        tpu.enqueue_dma source(%arg7 : memref<10240xf32, #tpu.memory_space<vmem>>) target(%dma_start3A_69 : memref<10240xf32, #tpu.memory_space<hbm>>) target_semaphore(%run_scoped3A : memref<!tpu.dma_semaphore, #tpu.memory_space<semaphore_mem>>)
        %dma_wait3A = tpu.memref_slice %arg6[%mul3A_68] : memref<320000xf32, #tpu.memory_space<hbm>> -> memref<10240xf32, #tpu.memory_space<hbm>>
        %dma_wait3A_70 = tpu.memref_slice %arg6[%mul3A_68] : memref<320000xf32, #tpu.memory_space<hbm>> -> memref<10240xf32, #tpu.memory_space<hbm>>
        tpu.wait_dma2 semaphore(%run_scoped3A : memref<!tpu.dma_semaphore, #tpu.memory_space<semaphore_mem>>) src(%arg7 : memref<10240xf32, #tpu.memory_space<vmem>>) dst(%dma_wait3A_70 : memref<10240xf32, #tpu.memory_space<hbm>>)
        tpu.yield
      }) : () -> ()
    } else {
    }
    %eq3A_56 = arith.constant 31 : i32
    %eq3A_57 = arith.cmpi eq, %add3A, %eq3A_56 : i32
    %convert_element_type3A_58 = arith.extui %eq3A_57 : i1 to i32
    %cond3A_59 = arith.constant 0 : i32
    %cond3A_60 = arith.cmpi ne, %convert_element_type3A_58, %cond3A_59 : i32
    scf.if %cond3A_60 {
      "tpu.region"() ({
        %run_scoped3A = tpu.sem_alloc : memref<!tpu.dma_semaphore, #tpu.memory_space<semaphore_mem>>
        %dma_start3A = arith.constant 0 : i32
        %dma_start3A_61 = tpu.memref_slice %arg7[%dma_start3A] : memref<10240xf32, #tpu.memory_space<vmem>> -> memref<2560xf32, #tpu.memory_space<vmem>>
        %dma_start3A_62 = arith.constant 317440 : i32
        %dma_start3A_63 = tpu.memref_slice %arg6[%dma_start3A_62] : memref<320000xf32, #tpu.memory_space<hbm>> -> memref<2560xf32, #tpu.memory_space<hbm>>
        %dma_start3A_64 = arith.constant 317440 : i32
        %dma_start3A_65 = tpu.memref_slice %arg6[%dma_start3A_64] : memref<320000xf32, #tpu.memory_space<hbm>> -> memref<2560xf32, #tpu.memory_space<hbm>>
        %dma_start3A_66 = arith.constant 0 : i32
        %dma_start3A_67 = tpu.memref_slice %arg7[%dma_start3A_66] : memref<10240xf32, #tpu.memory_space<vmem>> -> memref<2560xf32, #tpu.memory_space<vmem>>
        tpu.enqueue_dma source(%dma_start3A_67 : memref<2560xf32, #tpu.memory_space<vmem>>) target(%dma_start3A_65 : memref<2560xf32, #tpu.memory_space<hbm>>) target_semaphore(%run_scoped3A : memref<!tpu.dma_semaphore, #tpu.memory_space<semaphore_mem>>)
        %dma_wait3A = arith.constant 0 : i32
        %dma_wait3A_68 = tpu.memref_slice %arg7[%dma_wait3A] : memref<10240xf32, #tpu.memory_space<vmem>> -> memref<2560xf32, #tpu.memory_space<vmem>>
        %dma_wait3A_69 = arith.constant 317440 : i32
        %dma_wait3A_70 = tpu.memref_slice %arg6[%dma_wait3A_69] : memref<320000xf32, #tpu.memory_space<hbm>> -> memref<2560xf32, #tpu.memory_space<hbm>>
        %dma_wait3A_71 = arith.constant 317440 : i32
        %dma_wait3A_72 = tpu.memref_slice %arg6[%dma_wait3A_71] : memref<320000xf32, #tpu.memory_space<hbm>> -> memref<2560xf32, #tpu.memory_space<hbm>>
        %dma_wait3A_73 = arith.constant 0 : i32
        %dma_wait3A_74 = tpu.memref_slice %arg7[%dma_wait3A_73] : memref<10240xf32, #tpu.memory_space<vmem>> -> memref<2560xf32, #tpu.memory_space<vmem>>
        tpu.wait_dma2 semaphore(%run_scoped3A : memref<!tpu.dma_semaphore, #tpu.memory_space<semaphore_mem>>) src(%dma_wait3A_74 : memref<2560xf32, #tpu.memory_space<vmem>>) dst(%dma_wait3A_72 : memref<2560xf32, #tpu.memory_space<hbm>>)
        tpu.yield
      }) : () -> ()
    } else {
    }
    return
  }
}

module attributes {stable_mosaic.version = 14 : i64} {
  func.func @_tc_body(%arg0: i32, %arg1: memref<16384x128xf32, #tpu.memory_space<vmem>>, %arg2: memref<1x128xf32, #tpu.memory_space<vmem>>, %arg3: memref<1x1xf32, #tpu.memory_space<vmem>>, %arg4: memref<16384xf32, #tpu.memory_space<vmem>>) attributes {dimension_semantics = [#tpu.dimension_semantics<arbitrary>], iteration_bounds = array<i64: 20>, scalar_prefetch = 0 : i64, scratch_operands = 0 : i64, tpu.core_type = #tpu.core_type<tc>, window_params = [{transform_indices = @transform_0, window_bounds = array<i64: 16384, 128>}, {pipeline_mode = #tpu.pipeline_mode<synchronous>, transform_indices = @transform_1, window_bounds = array<i64: 1, 128>}, {pipeline_mode = #tpu.pipeline_mode<synchronous>, transform_indices = @transform_2, window_bounds = array<i64: 1, 1>}, {transform_indices = @transform_3, window_bounds = array<i64: 16384>}]} {
    %get3A = arith.constant 0 : index
    %get3A_0 = arith.constant 0 : index
    %get3A_1 = vector.load %arg1[%get3A, %get3A_0] : memref<16384x128xf32, #tpu.memory_space<vmem>>, vector<16384x128xf32>
    %get3A_2 = arith.constant 0 : index
    %get3A_3 = arith.constant 0 : index
    %get3A_4 = vector.load %arg2[%get3A_2, %get3A_3] : memref<1x128xf32, #tpu.memory_space<vmem>>, vector<1x128xf32>
    %dot_general3A = arith.constant dense<0.000000e+00> : vector<1x16384xf32>
    %dot_general3A_5 = tpu.matmul %get3A_4, %get3A_1, %dot_general3A {dimension_numbers = #tpu.dot_dimension_numbers<[1], [1], [0], [0], [0, 0, 1, 0], [], []>, transpose_lhs_hint = false} : vector<1x128xf32>, vector<16384x128xf32>, vector<1x16384xf32> -> vector<1x16384xf32>
    %get3A_6 = arith.constant 0 : index
    %get3A_7 = arith.constant 0 : index
    %get3A_8 = vector.load %arg3[%get3A_6, %get3A_7] : memref<1x1xf32, #tpu.memory_space<vmem>>, vector<1x1xf32>
    %get3A_9 = vector.extract %get3A_8[0, 0] : f32 from vector<1x1xf32>
    %add3A = vector.broadcast %get3A_9 : f32 to vector<1x16384xf32>
    %add3A_10 = arith.addf %dot_general3A_5, %add3A : vector<1x16384xf32>
    %ge3A = arith.constant 0.000000e+00 : f32
    %ge3A_11 = vector.broadcast %ge3A : f32 to vector<1x16384xf32>
    %ge3A_12 = arith.cmpf oge, %add3A_10, %ge3A_11 : vector<1x16384xf32>
    %mul3A = arith.constant 2.000000e-01 : f32
    %mul3A_13 = vector.broadcast %mul3A : f32 to vector<1x16384xf32>
    %mul3A_14 = arith.mulf %mul3A_13, %add3A_10 : vector<1x16384xf32>
    %select_n3A = arith.select %ge3A_12, %add3A_10, %mul3A_14 : vector<1x16384xi1>, vector<1x16384xf32>
    %exp3A = math.exp %select_n3A : vector<1x16384xf32>
    %squeeze3A = vector.shape_cast %exp3A : vector<1x16384xf32> to vector<16384xf32>
    %swap3A = arith.constant 0 : index
    %swap3A_15 = vector.load %arg4[%swap3A] : memref<16384xf32, #tpu.memory_space<vmem>>, vector<16384xf32>
    tpu.vector_store %arg4[%swap3A], %squeeze3A {strides = array<i32>} : memref<16384xf32, #tpu.memory_space<vmem>>, vector<16384xf32>,
    return
  }
  func.func @transform_0(%arg0: i32) -> (i32, i32) {
    %c0_i32 = arith.constant 0 : i32
    %c0_i32_0 = arith.constant 0 : i32
    return %arg0, %c0_i32 : i32, i32
  }
  func.func @transform_1(%arg0: i32) -> (i32, i32) {
    %c0_i32 = arith.constant 0 : i32
    %c0_i32_0 = arith.constant 0 : i32
    %c0_i32_1 = arith.constant 0 : i32
    return %c0_i32, %c0_i32_0 : i32, i32
  }
  func.func @transform_2(%arg0: i32) -> (i32, i32) {
    %c0_i32 = arith.constant 0 : i32
    %c0_i32_0 = arith.constant 0 : i32
    %c0_i32_1 = arith.constant 0 : i32
    return %c0_i32, %c0_i32_0 : i32, i32
  }
  func.func @transform_3(%arg0: i32) -> i32 {
    %c0_i32 = arith.constant 0 : i32
    return %arg0 : i32
  }
}

</mosaic_0001>

<sc_bundles>
// kernel: kernel.5.cloned.1.call-start
scs
__scs_entry_jumppad:
0x0: {  	(pc) =	sbr.rel $0x88, $3  }
0x1: {  	(tag) =	ssettag $0x0;
	lr =	simm.s32 $0x1  }
0x2: {  	[smem:$0x3F9D] =	sst lr;
	_ =	strace $0xD0000000  }
0x3: {  	_ = 	snop  }
0x4: {  	_ = 	snop  }
0x5: {  	_ = 	snop  }
0x6: {  	_ = 	snop  }
0x7: {  	_ = 	snop  }
__scs_overlays_trampoline_lowered:
0x8: {  	[smem:$0x3FAC] =	sst s0  }
0x9: {  	[smem:$0x3FAD] =	sst s1  }
0xa: {  	[smem:$0x3FAE] =	sst s2  }
0xb: {  	[smem:$0x3FAF] =	sst s3  }
0xc: {  	[smem:$0x3FB0] =	sst s4  }
0xd: {  	[smem:$0x3FB1] =	sst s5  }
0xe: {  	[smem:$0x3FB2] =	sst s6  }
0xf: {  	[smem:$0x3FB3] =	sst s7  }
0x10: {  	[smem:$0x3FB4] =	sst s8  }
0x11: {  	[smem:$0x3FB5] =	sst s9;
	s0 =	simm.s32 @!p0 $0x0  }
0x12: {  	s1 =	sld [smem:$0x3F9B];
	s0 =	simm.s32 @p0 $0x1  }
0x13: {  	[smem:$0x3FB6] =	sst s0;
	s0 =	simm.s32 @!p1 $0x0  }
0x14: {  	s2 =	sld [smem:$0x3F9A];
	s0 =	simm.s32 @p1 $0x1  }
0x15: {  	[smem:$0x3FB7] =	sst s0;
	s0 =	simm.s32 @!p2 $0x0  }
0x16: {  	s3 =	sld [smem:$0x3FDB];
	s0 =	simm.s32 @p2 $0x1  }
0x17: {  	s4 =	simm.s32 $0x1BF5;
	[smem:$0x3FB9] =	sst s0  }
0x18: {  	s0 =	sld [smem:$0x3F9C];
	_ =	swait.ge [sflag:s4], $0x0  }
0x19: {  	s7 =	sld [smem:$0x3F9D]  }
0x1a: {  	s8 =	sadd.s32 $0xFFFFE003, lr  }
0x1b: {  	s9 =	sadd.s32 $0xFFFFFEF7, lr;
	s5 =	simm.s32 $0xFFFFFFFF;
	p2 =	slt.u32 s8, $0xFFFFF086  }
0x1c: {  	p1 =	slt.u32 s9, $0xF7A;
	s5 =	simm.s32 @!p2 $0x0  }
0x1d: {  	s5 =	simm.s32 @p1 $0x1;
	p0 =	seq.s32 s7, s2  }
0x1e: {  	s7 =	smul.u32 @!p0 $0xF7A, s2;
	p2 =	seq.s32 @!p0 s5, $0x0  }
0x1f: {  	s9 =	smul.u32 $0xF7A, s1;
	s8 =	simm.s32 @!p0 $0x1BF5;
	p2 =	por !p2, p0  }
0x20: {  	[sflag:s8] =	ssyncset.s32 @!p0 $0xFFFFF086;
	s6 =	sadd.s32 @!p0 s3, s7;
	s7 =	simm.s32 @!p0 $0x108  }
0x21: {  	s3 =	sadd.s32 s3, s9;
	s6 =	sadd.s32 @!p0 $0x88, s6;
	s7 =	simm.s32 @p2 $0x1082  }
0x22: {  	[simem:s7], [sflag:s8] =	dma.local @!p0 [hbm:s6], $0xF7A  }
0x23: {  	s9 =	sor.u32 $0xD0000000, s2;
	s6 =	simm.s32 $0x108;
	_ =	swait.ge @!p0 [sflag:s8], $0x0  }
0x24: {  	s3 =	sadd.s32 $0x88, s3;
	s6 =	simm.s32 @!p1 $0x1082;
	[sflag:s4] =	ssyncset.s32 $0xFFFFF086  }
0x25: {  	[simem:s6], [sflag:s4] =	dma.local [hbm:s3], $0xF7A  }
0x26: {  	[smem:$0x3F9D] =	sst s1;
	(tag) =	ssettag s2;
	_ =	strace s9  }
0x27: {  	s1 =	sld [smem:$0x3FAD]  }
0x28: {  	s2 =	sld [smem:$0x3FAE]  }
0x29: {  	s4 =	sld [smem:$0x3FB0]  }
0x2a: {  	p0 =	seq.s32 s5, $0x0;
	s5 =	sld [smem:$0x3FB1]  }
0x2b: {  	s6 =	sld [smem:$0x3FB2]  }
0x2c: {  	s7 =	sld [smem:$0x3FB3]  }
0x2d: {  	s3 =	simm.s32 $0x108;
	s8 =	sld [smem:$0x3FB4]  }
0x2e: {  	s3 =	simm.s32 @!p0 $0x1082;
	s9 =	sld [smem:$0x3FB5]  }
0x2f: {  	lr =	sadd.s32 s0, s3;
	s0 =	sld [smem:$0x3FAC]  }
0x30: {  	s3 =	sld [smem:$0x3FAF]  }
0x31: {  	[smem:$0x3FB8] =	sst s10  }
0x32: {  	s10 =	sld [smem:$0x3FB6];
	_ =	sdelay $0x3  }
0x33: {  	p0 =	seq.s32 s10, $0x1;
	s10 =	sld [smem:$0x3FB8];
	_ =	sdelay $0x3  }
0x34: {  	[smem:$0x3FB8] =	sst s10  }
0x35: {  	s10 =	sld [smem:$0x3FB7];
	_ =	sdelay $0x3  }
0x36: {  	p1 =	seq.s32 s10, $0x1;
	s10 =	sld [smem:$0x3FB8];
	_ =	sdelay $0x3  }
0x37: {  	[smem:$0x3FB8] =	sst s10  }
0x38: {  	s10 =	sld [smem:$0x3FB9]  }
0x39: {  	_ = 	snop;
	(pc) =	sbr.ind lr, $3  }
0x3a: {  	_ = 	snop  }
0x3b: {  	_ = 	snop  }
0x3c: {  	p2 =	seq.s32 s10, $0x1;
	s10 =	sld [smem:$0x3FB8]  }
0x3d: {  	_ =	shalt  }
0x3e: {  	_ =	shalt  }
0x3f: {  	_ =	shalt  }
0x40: {  	_ =	shalt  }
0x41: {  	_ =	shalt  }
0x42: {  	_ =	shalt  }
0x43: {  	_ =	shalt  }
0x44: {  	_ =	shalt  }
0x45: {  	_ =	shalt  }
0x46: {  	_ =	shalt  }
0x47: {  	_ =	shalt  }
0x48: {  	_ =	shalt  }
0x49: {  	_ =	shalt  }
0x4a: {  	_ =	shalt  }
0x4b: {  	_ =	shalt  }
0x4c: {  	_ =	shalt  }
0x4d: {  	_ =	shalt  }
0x4e: {  	_ =	shalt  }
0x4f: {  	_ =	shalt  }
0x50: {  	_ =	shalt  }
0x51: {  	_ =	shalt  }
0x52: {  	_ =	shalt  }
0x53: {  	_ =	shalt  }
0x54: {  	_ =	shalt  }
0x55: {  	_ =	shalt  }
0x56: {  	_ =	shalt  }
0x57: {  	_ =	shalt  }
0x58: {  	_ =	shalt  }
0x59: {  	_ =	shalt  }
0x5a: {  	_ =	shalt  }
0x5b: {  	_ =	shalt  }
0x5c: {  	_ =	shalt  }
0x5d: {  	_ =	shalt  }
0x5e: {  	_ =	shalt  }
0x5f: {  	_ =	shalt  }
0x60: {  	_ =	shalt  }
0x61: {  	_ =	shalt  }
0x62: {  	_ =	shalt  }
0x63: {  	_ =	shalt  }
0x64: {  	_ =	shalt  }
0x65: {  	_ =	shalt  }
0x66: {  	_ =	shalt  }
0x67: {  	_ =	shalt  }
0x68: {  	_ =	shalt  }
0x69: {  	_ =	shalt  }
0x6a: {  	_ =	shalt  }
0x6b: {  	_ =	shalt  }
0x6c: {  	_ =	shalt  }
0x6d: {  	_ =	shalt  }
0x6e: {  	_ =	shalt  }
0x6f: {  	_ =	shalt  }
0x70: {  	_ =	shalt  }
0x71: {  	_ =	shalt  }
0x72: {  	_ =	shalt  }
0x73: {  	_ =	shalt  }
0x74: {  	_ =	shalt  }
0x75: {  	_ =	shalt  }
0x76: {  	_ =	shalt  }
0x77: {  	_ =	shalt  }
0x78: {  	_ =	shalt  }
0x79: {  	_ =	shalt  }
0x7a: {  	_ =	shalt  }
0x7b: {  	_ =	shalt  }
0x7c: {  	_ =	shalt  }
0x7d: {  	_ =	shalt  }
0x7e: {  	_ =	shalt  }
0x7f: {  	_ =	shalt  }
0x80: {  	_ =	shalt  }
0x81: {  	_ =	shalt  }
0x82: {  	_ =	shalt  }
0x83: {  	_ =	shalt  }
0x84: {  	_ =	shalt  }
0x85: {  	_ =	shalt  }
0x86: {  	_ =	shalt  }
0x87: {  	_ =	shalt  }
.Lfunc_end0:
.L_simem_size_0:
called_computation_lowered:
.L_overlay_start_0:
0x88: {  	s2 =	sld [smem:$0x3FD9]  }
0x89: {  	s3 =	sld [smem:$0x3FFE];
	_ =	sdelay $0x1  }
0x8a: {  	s1 =	srdreg.scid  }
0x8b: {  	s0 =	sand.u32 $0x1, s1  }
0x8c: {  	s17 =	sshll.u32 s0, $0xA;
	s2 =	sadd.s32 s3, s2  }
0x8d: {  	s2 =	sadd.s32 s2, s17  }
0x8e: {  	[smem:$0x3FC4] =	sst s2  }
0x8f: {  	_ = 	snop  }
0x90: {  	s2 =	sld [smem:$0x3FD0];
	(tm) =	ssettm $0x1  }
0x91: {  	s18 =	sld [smem:$0x3FFB];
	_ =	sdelay $0x3  }
0x92: {  	_ =	strace s18  }
0x93: {  	s3 =	sld [smem:$0x3FFC];
	_ =	sdelay $0x3  }
0x94: {  	_ =	strace s3  }
0x95: {  	s3 =	sld [smem:$0x3FFD];
	_ =	sdelay $0x3  }
0x96: {  	_ =	strace s3  }
0x97: {  	_ =	strace $0x8FFFFFFF  }
0x98: {  	s19 =	sld [smem:$0x3FDB];
	_ =	sdelay $0x1  }
0x99: {  	s4 =	simm.s32 $_scs_section_size  }
0x9a: {  	s5 =	simm.s32 $_size__tile_overlayer_lowered;
	s6 =	simm.s32 $_tile_overlayer_lowered  }
0x9b: {  	s22 =	simm.s32 $0x1BFF;
	s21 =	sshll.u32 s6, $0x1;
	s3 =	sadd.s32 s4, s19  }
0x9c: {  	s7 =	simm.s32 $0x0;
	s20 =	sshll.u32 s5, $0x1;
	s5 =	sadd.s32 s21, s3  }
0x9d: {  	[timem:s7], [sflag:s22] =	dma.local [hbm:s5], s20  }
0x9e: {  	_ =	swait.ge [sflag:s22], s20  }
0x9f: {  	s4 =	ssub.s32 $0x0, s20;
	[sflag:s22] =	ssyncset.done $0x0  }
0xa0: {  	[sflag:s22] =	ssyncadd.s32 s4;
	_ =	sdelay $0x1  }
0xa1: {  	s23 =	simm.s32 $0x1B8B  }
0xa2: {  	_ =	swait.ge [sflag:s23], $0x1  }
0xa3: {  	[sflag:s23] =	ssyncset.done $0x0  }
0xa4: {  	s25 =	simm.s32 $0x1B8E;
	s24 =	sld [smem:$0x3FFE];
	[sflag:s23] =	ssyncadd.s32 $0xFFFFFFFF  }
0xa5: {  	s26 =	simm.s32 $execute0_lowered;
	[smem:$0x3FD2] =	sst s25  }
0xa6: {  	s5 =	sshll.u32 s26, $0x1;
	_ =	strace $0x80000046;
	[dreg:$0x1] =	wrdreg $0xFFFFFFFF  }
0xa7: {  	s28 =	simm.s32 $_size_execute0_lowered;
	s3 =	sadd.s32 s3, s5;
	[dreg:$0x0] =	wrdreg $0x0  }
0xa8: {  	s5 =	sshll.u32 s28, $0x1;
	[dreg:$0x2] =	wrdreg s3  }
0xa9: {  	[dreg:$0x3] =	wrdreg s5  }
0xaa: {  	[dreg:$0x4] =	wrdreg $0xC0  }
0xab: {  	_ =	task [dreg:s7], $0x5FFFF  }
0xac: {  	[dreg:$0x1] =	wrdreg $0xFFFFFFFF  }
0xad: {  	[dreg:$0x0] =	wrdreg $0x60  }
0xae: {  	[dreg:$0x2] =	wrdreg s24  }
0xaf: {  	[dreg:$0x3] =	wrdreg s2  }
0xb0: {  	[dreg:$0x4] =	wrdreg $0x52800  }
0xb1: {  	[dreg:$0x5] =	wrdreg $0x9  }
0xb2: {  	_ =	task.clear_ibuf [dreg:s7], $0x6FFFF;
	_ =	strace $0x90000046  }
0xb3: {  	s29 =	simm.s32 $0x9;
	_ =	strace $0x80000048  }
0xb4: {  	_ =	swait.ge [sflag:s29], $0x1  }
0xb5: {  	[sflag:s29] =	ssyncadd.s32 $0xFFFFFFFF  }
0xb6: {  	_ =	strace $0x90000048  }
0xb7: {  	_ =	sfence  }
0xb8: {  	s30 =	sld [smem:$0x0];
	_ =	sdelay $0x2  }
0xb9: {  	s31 =	sshll.u32 s1, $0xD;
	s1 =	sshrl.u32 s1, $0x2  }
0xba: {  	s3 =	sand.u32 $0x4000, s31;
	s1 =	sadd.s32 s1, s30  }
0xbb: {  	s0 =	sor.u32 s3, s0;
	s1 =	sshll.u32 s1, $0x11  }
0xbc: {  	s0 =	sor.u32 s1, s0  }
0xbd: {  	s0 =	sadd.s32 $0x8F2B, s0  }
0xbe: {  	[sflag:s0] =	ssyncadd.remote.s32 $0x1  }
0xbf: {  	_ =	sfence.sel $0xFFFF  }
0xc0: {  	[dreg:$0x0] =	wrdreg $0xFFFFFFFF;
	(pc) =	sbr.abs _section_cstart, $3  }
0xc1: {  	[dreg:$0x1] =	wrdreg $0xFFFFFFFF  }
0xc2: {  	_ =	task.clear_ibuf [dreg:s7], $0x2FFFF;
	_ =	strace $0x9FFFFFFF  }
0xc3: {  	(tm) =	ssettm $0x7FFFFFFF  }
tec
execute0_lowered:
.L_overlay_start_1:
0x0: {  	(tag) =	ssettag $0x1  }
0x1: {  	s0 =	rddreg [dreg:$0x0]  }
0x2: {  	s1 =	srdreg.scid;
	s10 =	rddreg [dreg:$0x1]  }
0x3: {  	s2 =	rddreg [dreg:$0x2];
	s17 =	stileid.u32;
	s3 =	simm.s32 $0x0  }
0x4: {  	s18 =	simm.s32 $0x5000;
	s19 =	simm.s32 $0x680;
	s20 =	simm.s32 $0x2F00  }
0x5: {  	s21 =	simm.s32 $0x700;
	s22 =	simm.s32 $0x2F80;
	s23 =	simm.s32 $0x780  }
0x6: {  	s24 =	simm.s32 $0x3000;
	s25 =	simm.s32 $0x800;
	s28 =	simm.s32 $0x880  }
0x7: {  	s29 =	simm.s32 $0x3100;
	s30 =	simm.s32 $0x900;
	s31 =	simm.s32 $0x3180  }
0x8: {  	s1 =	sand.u32 $0x1, s1;
	[smem:$0x7FF] =	sst s3;
	s9 =	smul.u32 $0x280, s17  }
0x9: {  	s12 =	sadd.s32 $0x14800, s0;
	s8 =	sadd.s32 $0xA700, s0;
	s4 =	sshll.u32 s1, $0x4  }
0xa: {  	s5 =	ssub.s32 $0x2, s1;
	_ =	strace $0x80000047;
	p0 =	seq.s32 s1, $0x1  }
0xb: {  	s1 =	simm.s32 $0x1;
	s11 =	sor.u32 s17, s4;
	s6 =	sshrl.u32 s5, $0x1  }
0xc: {  	s26 =	sshrl.u32 s9, $0x3;
	s10 =	smov.u32 @p0 s12;
	s4 =	smul.u32 $0x500, s11  }
.Ltmp0:
0xd: {  	s12 =	simm.s32 $0x2;
	s13 =	ssub.s32 s5, s6;
	(pc) =	sbr.rel .LBB2_1-.Ltmp0, $4  }
0xe: {  	s5 =	sadd.s32 $0x14500, s0;
	s6 =	sadd.s32 s9, s2;
	s10 =	sadd.s32 s10, s26  }
0xf: {  	p0 =	seq.s32 s11, $0x1F;
	s26 =	simm.s32 $0x3080;
	s11 =	simm.s32 $0x0  }
0x10: {  	s9 =	smax.u32 s13, $0x1;
	s13 =	simm.s32 $0x80;
	s7 =	sadd.s32 s4, s0  }
0x11: {  	v0 =	vimm.f32 $0.0e+00;
	s0 =	simm.s32 $0x980;
	s4 =	sadd.s32 $0xAA00, s7;
	s7 =	sadd.s32 $0xC00, s7  }
.LBB2_5:
0x12: {  	_ =	swait.ge [sflag:s1], $0xA00  }
0x13: {  	[sflag:s1] =	ssyncset.done $0x0  }
0x14: {  	[sflag:s1] =	ssyncadd.s32 $0xFFFFF600  }
.LBB2_6:
0x15: {  	[bflag:$0x0] =	sbarrier.arrive $0xFFFF;
	s11 =	sadd.s32 $0x1, s11  }
0x16: {  	s14 =	sshll.u32 s17, $0x6;
	s15 =	sshrl.u32 s6, $0x3;
	p1 =	sne.s32 s11, s9  }
.Ltmp1:
0x17: {  	[bflag:$0x0] =	sbarrier.arrive $0xFFFF;
	s14 =	sor.u32 $0x1C02, s14;
	(pc) =	sbr.rel @!p1 .LBB2_7-.Ltmp1, $4  }
0x18: {  	[hbm:s10], [sflag:s14] =	dma.local [spmem:s15], $0x50  }
0x19: {  	_ =	swait.ge [sflag:s12], $0x50  }
0x1a: {  	[sflag:s12] =	ssyncset.done $0x0  }
0x1b: {  	[sflag:s12] =	ssyncadd.s32 $0xFFFFFFB0  }
.LBB2_1:
0x1c: {  	s14 =	simm.s32 @p0 $0x0  }
0x1d: {  	[tilespmem:s14], [sflag:$0x1] =	stream.linear.gather @p0 [hbm4b:s5+s14], $0xA00, $0x38;
	[tilespmem:$0x5500] =	vst v63  }
0x1e: {  	s15 =	simm.s32 @!p0 $0x0  }
0x1f: {  	[tilespmem:s15], [sflag:$0x1] =	stream.linear.gather @!p0 [hbm4b:s4+s15], $0x2800, $0x38;
	[tilespmem:$0x5500] =	vst v63  }
0x20: {  	[tilespmem:$0x5000] =	vst v0  }
0x21: {  	[tilespmem:$0x5010] =	vst v0  }
0x22: {  	[tilespmem:$0x5020] =	vst v0  }
0x23: {  	[tilespmem:$0x5030] =	vst v0  }
0x24: {  	[tilespmem:$0x5040] =	vst v0  }
0x25: {  	[tilespmem:$0x5050] =	vst v0  }
0x26: {  	[tilespmem:$0x5060] =	vst v0  }
0x27: {  	[tilespmem:$0x5070] =	vst v0  }
0x28: {  	[tilespmem:$0x5080] =	vst v0  }
0x29: {  	[tilespmem:$0x5090] =	vst v0  }
0x2a: {  	[tilespmem:$0x50A0] =	vst v0  }
0x2b: {  	[tilespmem:$0x50B0] =	vst v0  }
0x2c: {  	[tilespmem:$0x50C0] =	vst v0  }
0x2d: {  	[tilespmem:$0x50D0] =	vst v0  }
0x2e: {  	[tilespmem:$0x50E0] =	vst v0  }
0x2f: {  	[tilespmem:$0x50F0] =	vst v0  }
0x30: {  	[tilespmem:$0x5100] =	vst v0  }
0x31: {  	[tilespmem:$0x5110] =	vst v0  }
0x32: {  	[tilespmem:$0x5120] =	vst v0  }
0x33: {  	[tilespmem:$0x5130] =	vst v0  }
0x34: {  	[tilespmem:$0x5140] =	vst v0  }
0x35: {  	[tilespmem:$0x5150] =	vst v0  }
0x36: {  	[tilespmem:$0x5160] =	vst v0  }
0x37: {  	[tilespmem:$0x5170] =	vst v0  }
0x38: {  	[tilespmem:$0x5180] =	vst v0  }
0x39: {  	[tilespmem:$0x5190] =	vst v0  }
0x3a: {  	[tilespmem:$0x51A0] =	vst v0  }
0x3b: {  	[tilespmem:$0x51B0] =	vst v0  }
0x3c: {  	[tilespmem:$0x51C0] =	vst v0  }
0x3d: {  	[tilespmem:$0x51D0] =	vst v0  }
0x3e: {  	[tilespmem:$0x51E0] =	vst v0  }
0x3f: {  	[tilespmem:$0x51F0] =	vst v0  }
0x40: {  	[tilespmem:$0x5200] =	vst v0  }
0x41: {  	[tilespmem:$0x5210] =	vst v0  }
0x42: {  	[tilespmem:$0x5220] =	vst v0  }
0x43: {  	[tilespmem:$0x5230] =	vst v0  }
0x44: {  	[tilespmem:$0x5240] =	vst v0  }
0x45: {  	[tilespmem:$0x5250] =	vst v0  }
0x46: {  	[tilespmem:$0x5260] =	vst v0  }
0x47: {  	[tilespmem:$0x5270] =	vst v0  }
0x48: {  	[spmem:s6] =	stream.linear.scatter [tilespmem:s18], [sflag:$0x2], $0x280, $0x38;
	[tilespmem:$0x5500] =	vst v63  }
0x49: {  	_ =	swait.ge [sflag:s12], $0x280  }
0x4a: {  	[sflag:s12] =	ssyncset.done $0x0  }
0x4b: {  	s16 =	simm.s32 @p0 $0x2800;
	[sflag:s12] =	ssyncadd.s32 $0xFFFFFD80  }
0x4c: {  	[tilespmem:s16], [sflag:$0x2] =	stream.linear.gather @p0 [hbm4b:s8+s14], $0xA00, $0x38;
	[tilespmem:$0x5500] =	vst v63  }
0x4d: {  	s14 =	simm.s32 @p0 $0x2  }
0x4e: {  	_ =	swait.ge @p0 [sflag:s14], $0xA00  }
0x4f: {  	[sflag:s14] =	ssyncset.done @p0 $0x0  }
0x50: {  	[sflag:s14] =	ssyncadd.s32 @p0 $0xFFFFF600;
	s14 =	simm.s32 @p0 $0x1  }
0x51: {  	_ =	swait.ge @p0 [sflag:s14], $0xA00  }
0x52: {  	[sflag:s14] =	ssyncset.done @p0 $0x0  }
0x53: {  	[sflag:s14] =	ssyncadd.s32 @p0 $0xFFFFF600;
	s14 =	simm.s32 @!p0 $0x2800  }
0x54: {  	[tilespmem:s14], [sflag:$0x2] =	stream.linear.gather @!p0 [hbm4b:s7+s15], $0x2800, $0x38;
	[tilespmem:$0x5500] =	vst v63  }
0x55: {  	s14 =	simm.s32 @!p0 $0x2  }
0x56: {  	_ =	swait.ge @!p0 [sflag:s14], $0x2800  }
0x57: {  	[sflag:s14] =	ssyncset.done @!p0 $0x0  }
0x58: {  	[sflag:s14] =	ssyncadd.s32 @!p0 $0xFFFFD800;
	s14 =	simm.s32 @!p0 $0x1  }
0x59: {  	_ =	swait.ge @!p0 [sflag:s14], $0x2800  }
0x5a: {  	[sflag:s14] =	ssyncset.done @!p0 $0x0  }
0x5b: {  	[sflag:s14] =	ssyncadd.s32 @!p0 $0xFFFFD800  }
0x5c: {  	s15 =	simm.s32 $0x2800;
	[bflag:$0x0] =	sbarrier.arrive $0xFFFF  }
0x5d: {  	[spmem:s2] =	stream.indirect.scatter.add.f32 [tilespmem:s3], [sflag:$0x1], $0x1, s15, s13, $0xb8;
	[tilespmem:$0x5500] =	vst v63  }
0x5e: {  	s16 =	simm.s32 $0x2880  }
0x5f: {  	[spmem:s2] =	stream.indirect.scatter.add.f32 [tilespmem:s13], [sflag:$0x1], $0x1, s16, s13, $0xb8;
	[tilespmem:$0x5500] =	vst v63  }
0x60: {  	s15 =	simm.s32 $0x2900;
	s16 =	simm.s32 $0x100  }
0x61: {  	[spmem:s2] =	stream.indirect.scatter.add.f32 [tilespmem:s16], [sflag:$0x1], $0x1, s15, s13, $0xb8;
	[tilespmem:$0x5500] =	vst v63  }
0x62: {  	s15 =	simm.s32 $0x2980;
	s16 =	simm.s32 $0x180  }
0x63: {  	[spmem:s2] =	stream.indirect.scatter.add.f32 [tilespmem:s16], [sflag:$0x1], $0x1, s15, s13, $0xb8;
	[tilespmem:$0x5500] =	vst v63  }
0x64: {  	s15 =	simm.s32 $0x2A00;
	s16 =	simm.s32 $0x200  }
0x65: {  	[spmem:s2] =	stream.indirect.scatter.add.f32 [tilespmem:s16], [sflag:$0x1], $0x1, s15, s13, $0xb8;
	[tilespmem:$0x5500] =	vst v63  }
0x66: {  	s15 =	simm.s32 $0x2A80;
	s16 =	simm.s32 $0x280  }
0x67: {  	[spmem:s2] =	stream.indirect.scatter.add.f32 [tilespmem:s16], [sflag:$0x1], $0x1, s15, s13, $0xb8;
	[tilespmem:$0x5500] =	vst v63  }
0x68: {  	s15 =	simm.s32 $0x2B00;
	s16 =	simm.s32 $0x300  }
0x69: {  	[spmem:s2] =	stream.indirect.scatter.add.f32 [tilespmem:s16], [sflag:$0x1], $0x1, s15, s13, $0xb8;
	[tilespmem:$0x5500] =	vst v63  }
0x6a: {  	s15 =	simm.s32 $0x2B80;
	s16 =	simm.s32 $0x380  }
0x6b: {  	[spmem:s2] =	stream.indirect.scatter.add.f32 [tilespmem:s16], [sflag:$0x1], $0x1, s15, s13, $0xb8;
	[tilespmem:$0x5500] =	vst v63  }
0x6c: {  	s15 =	simm.s32 $0x2C00;
	s16 =	simm.s32 $0x400  }
0x6d: {  	[spmem:s2] =	stream.indirect.scatter.add.f32 [tilespmem:s16], [sflag:$0x1], $0x1, s15, s13, $0xb8;
	[tilespmem:$0x5500] =	vst v63  }
0x6e: {  	s15 =	simm.s32 $0x2C80;
	s16 =	simm.s32 $0x480  }
0x6f: {  	[spmem:s2] =	stream.indirect.scatter.add.f32 [tilespmem:s16], [sflag:$0x1], $0x1, s15, s13, $0xb8;
	[tilespmem:$0x5500] =	vst v63  }
0x70: {  	s15 =	simm.s32 $0x2D00;
	s16 =	simm.s32 $0x500  }
0x71: {  	[spmem:s2] =	stream.indirect.scatter.add.f32 [tilespmem:s16], [sflag:$0x1], $0x1, s15, s13, $0xb8;
	[tilespmem:$0x5500] =	vst v63  }
0x72: {  	s15 =	simm.s32 $0x2D80;
	s16 =	simm.s32 $0x580  }
0x73: {  	[spmem:s2] =	stream.indirect.scatter.add.f32 [tilespmem:s16], [sflag:$0x1], $0x1, s15, s13, $0xb8;
	[tilespmem:$0x5500] =	vst v63  }
0x74: {  	s15 =	simm.s32 $0x2E00;
	s16 =	simm.s32 $0x600  }
0x75: {  	[spmem:s2] =	stream.indirect.scatter.add.f32 [tilespmem:s16], [sflag:$0x1], $0x1, s15, s13, $0xb8;
	[tilespmem:$0x5500] =	vst v63  }
0x76: {  	s16 =	simm.s32 $0x2E80  }
0x77: {  	[spmem:s2] =	stream.indirect.scatter.add.f32 [tilespmem:s19], [sflag:$0x1], $0x1, s16, s13, $0xb8;
	[tilespmem:$0x5500] =	vst v63  }
0x78: {  	_ = 	snop  }
0x79: {  	[spmem:s2] =	stream.indirect.scatter.add.f32 [tilespmem:s21], [sflag:$0x1], $0x1, s20, s13, $0xb8;
	[tilespmem:$0x5500] =	vst v63  }
0x7a: {  	_ = 	snop  }
0x7b: {  	[spmem:s2] =	stream.indirect.scatter.add.f32 [tilespmem:s23], [sflag:$0x1], $0x1, s22, s13, $0xb8;
	[tilespmem:$0x5500] =	vst v63  }
0x7c: {  	_ = 	snop  }
0x7d: {  	[spmem:s2] =	stream.indirect.scatter.add.f32 [tilespmem:s25], [sflag:$0x1], $0x1, s24, s13, $0xb8;
	[tilespmem:$0x5500] =	vst v63  }
0x7e: {  	_ = 	snop  }
0x7f: {  	[spmem:s2] =	stream.indirect.scatter.add.f32 [tilespmem:s28], [sflag:$0x1], $0x1, s26, s13, $0xb8;
	[tilespmem:$0x5500] =	vst v63  }
.Ltmp2:
0x80: {  	_ = 	snop;
	(pc) =	sbr.rel @p0 .LBB2_5-.Ltmp2, $4  }
0x81: {  	_ = 	snop  }
0x82: {  	[spmem:s2] =	stream.indirect.scatter.add.f32 [tilespmem:s30], [sflag:$0x1], $0x1, s29, s13, $0xb8;
	[tilespmem:$0x5500] =	vst v63  }
0x83: {  	s14 =	simm.s32 $0x10  }
0x84: {  	[spmem:s2] =	stream.indirect.scatter.add.f32 [tilespmem:s0], [sflag:$0x1], $0x1, s31, s13, $0xb8;
	[tilespmem:$0x5500] =	vst v63  }
0x85: {  	s15 =	sshra.s32 s3, $0x2  }
0x86: {  	s16 =	sadd.s32 $0xA00, s15;
	s17 =	sadd.s32 $0x3200, s15  }
0x87: {  	[spmem:s2] =	stream.indirect.scatter.add.f32 [tilespmem:s16], [sflag:$0x1], $0x1, s17, s13, $0xb8;
	[tilespmem:$0x5500] =	vst v63  }
0x88: {  	s18 =	sadd.s32 $0x3280, s15;
	s17 =	sadd.s32 $0xA80, s15  }
0x89: {  	[spmem:s2] =	stream.indirect.scatter.add.f32 [tilespmem:s17], [sflag:$0x1], $0x1, s18, s13, $0xb8;
	[tilespmem:$0x5500] =	vst v63  }
0x8a: {  	s14 =	sadd.s32 $0x4, s14;
	s17 =	sadd.s32 $0xB00, s15;
	s18 =	sadd.s32 $0x3300, s15  }
0x8b: {  	[spmem:s2] =	stream.indirect.scatter.add.f32 [tilespmem:s17], [sflag:$0x1], $0x1, s18, s13, $0xb8;
	[tilespmem:$0x5500] =	vst v63  }
0x8c: {  	s16 =	sadd.s32 $0xB80, s15;
	s17 =	sadd.s32 $0x3380, s15;
	s15 =	sadd.s32 $0x800, s3  }
.LBB2_3:
0x8d: {  	[spmem:s2] =	stream.indirect.scatter.add.f32 [tilespmem:s16], [sflag:$0x1], $0x1, s17, s13, $0xb8;
	[tilespmem:$0x5500] =	vst v63  }
0x8e: {  	s17 =	sshra.s32 s15, $0x2;
	s14 =	sadd.s32 $0x4, s14  }
0x8f: {  	s16 =	sadd.s32 $0xA00, s17;
	s18 =	sadd.s32 $0x3200, s17;
	p1 =	slt.u32 s14, $0x4C  }
0x90: {  	[spmem:s2] =	stream.indirect.scatter.add.f32 [tilespmem:s16], [sflag:$0x1], $0x1, s18, s13, $0xb8;
	[tilespmem:$0x5500] =	vst v63  }
.Ltmp3:
0x91: {  	s16 =	sadd.s32 $0xA80, s17;
	s18 =	sadd.s32 $0x3280, s17;
	(pc) =	sbr.rel @p1 .LBB2_3-.Ltmp3, $4  }
0x92: {  	[spmem:s2] =	stream.indirect.scatter.add.f32 [tilespmem:s16], [sflag:$0x1], $0x1, s18, s13, $0xb8;
	[tilespmem:$0x5500] =	vst v63  }
0x93: {  	s16 =	sadd.s32 $0xB00, s17;
	s18 =	sadd.s32 $0x3300, s17  }
0x94: {  	[spmem:s2] =	stream.indirect.scatter.add.f32 [tilespmem:s16], [sflag:$0x1], $0x1, s18, s13, $0xb8;
	[tilespmem:$0x5500] =	vst v63  }
0x95: {  	s15 =	sadd.s32 $0x800, s15;
	s16 =	sadd.s32 $0xB80, s17;
	s17 =	sadd.s32 $0x3380, s17  }
.Ltmp4:
0x96: {  	(pc) =	sbr.rel .LBB2_6-.Ltmp4, $4  }
0x97: {  	[spmem:s2] =	stream.indirect.scatter.add.f32 [tilespmem:s16], [sflag:$0x1], $0x1, s17, s13, $0xb8;
	[tilespmem:$0x5500] =	vst v63  }
0x98: {  	_ =	swait.ge [sflag:s1], $0x2800  }
0x99: {  	[sflag:s1] =	ssyncset.done $0x0  }
0x9a: {  	s17 =	stileid.u32;
	s18 =	simm.s32 $0x5000;
	[sflag:s1] =	ssyncadd.s32 $0xFFFFD800  }
.LBB2_7:
0x9b: {  	_ =	sfence.sel $0x180000  }
0x9c: {  	[bflag:$0x0] =	sbarrier.arrive $0xFFFF  }
0x9d: {  	_ =	strace $0x90000047  }
0x9e: {  	[bflag:$0x2] =	sbarrier.arrive $0xFFFF  }
0x9f: {  	p0 =	sne.s32 s17, $0x0;
	s0 =	rddreg [dreg:$0x3]  }
0xa0: {  	s0 =	sadd.s32 @!p0 $0x100000, s0  }
0xa1: {  	[sflag:s0] =	ssyncadd.tile.s32 @!p0 $0x1;
	_ =	shalt  }
.Lfunc_end2:
_tile_overlayer_lowered:
.L_overlay_start_2:
0xa2: {  	(tag) =	ssettag $0x2  }
0xa3: {  	s0 =	rddreg [dreg:$0x0];
	s2 =	stileid.u32  }
0xa4: {  	s1 =	rddreg [dreg:$0x1];
	p0 =	sne.s32 s2, $0x0  }
0xa5: {  	s3 =	rddreg [dreg:$0x2];
	[bflag:$0x3] =	sbarrier.arrive $0xFFFF;
	s2 =	simm.s32 @!p0 $0x1C02  }
0xa6: {  	[timem:s3], [sflag:s2] =	dma.local @!p0 [hbm:s0], s1  }
0xa7: {  	s0 =	simm.s32 @!p0 $0x2  }
0xa8: {  	_ =	swait.ge @!p0 [sflag:s0], s1  }
0xa9: {  	s1 =	ssub.s32 @!p0 $0x0, s1;
	[sflag:s0] =	ssyncset.done @!p0 $0x0  }
0xaa: {  	[sflag:s0] =	ssyncadd.s32 @!p0 s1  }
0xab: {  	[bflag:$0x3] =	sbarrier.arrive $0xFFFF  }
0xac: {  	_ =	shalt  }

// kernel: kernel.8.cloned.1.call-start
scs
__scs_entry_jumppad:
0x0: {  	(pc) =	sbr.rel $0x88, $3  }
0x1: {  	(tag) =	ssettag $0x0;
	lr =	simm.s32 $0x1  }
0x2: {  	[smem:$0x3F9D] =	sst lr;
	_ =	strace $0xD0000000  }
0x3: {  	_ = 	snop  }
0x4: {  	_ = 	snop  }
0x5: {  	_ = 	snop  }
0x6: {  	_ = 	snop  }
0x7: {  	_ = 	snop  }
__scs_overlays_trampoline_lowered:
0x8: {  	[smem:$0x3FAC] =	sst s0  }
0x9: {  	[smem:$0x3FAD] =	sst s1  }
0xa: {  	[smem:$0x3FAE] =	sst s2  }
0xb: {  	[smem:$0x3FAF] =	sst s3  }
0xc: {  	[smem:$0x3FB0] =	sst s4  }
0xd: {  	[smem:$0x3FB1] =	sst s5  }
0xe: {  	[smem:$0x3FB2] =	sst s6  }
0xf: {  	[smem:$0x3FB3] =	sst s7  }
0x10: {  	[smem:$0x3FB4] =	sst s8  }
0x11: {  	[smem:$0x3FB5] =	sst s9;
	s0 =	simm.s32 @!p0 $0x0  }
0x12: {  	s1 =	sld [smem:$0x3F9B];
	s0 =	simm.s32 @p0 $0x1  }
0x13: {  	[smem:$0x3FB6] =	sst s0;
	s0 =	simm.s32 @!p1 $0x0  }
0x14: {  	s2 =	sld [smem:$0x3F9A];
	s0 =	simm.s32 @p1 $0x1  }
0x15: {  	[smem:$0x3FB7] =	sst s0;
	s0 =	simm.s32 @!p2 $0x0  }
0x16: {  	s3 =	sld [smem:$0x3FDB];
	s0 =	simm.s32 @p2 $0x1  }
0x17: {  	s4 =	simm.s32 $0x1BF5;
	[smem:$0x3FB9] =	sst s0  }
0x18: {  	s0 =	sld [smem:$0x3F9C];
	_ =	swait.ge [sflag:s4], $0x0  }
0x19: {  	s7 =	sld [smem:$0x3F9D]  }
0x1a: {  	s8 =	sadd.s32 $0xFFFFE003, lr  }
0x1b: {  	s9 =	sadd.s32 $0xFFFFFEF7, lr;
	s5 =	simm.s32 $0xFFFFFFFF;
	p2 =	slt.u32 s8, $0xFFFFF086  }
0x1c: {  	p1 =	slt.u32 s9, $0xF7A;
	s5 =	simm.s32 @!p2 $0x0  }
0x1d: {  	s5 =	simm.s32 @p1 $0x1;
	p0 =	seq.s32 s7, s2  }
0x1e: {  	s7 =	smul.u32 @!p0 $0xF7A, s2;
	p2 =	seq.s32 @!p0 s5, $0x0  }
0x1f: {  	s9 =	smul.u32 $0xF7A, s1;
	s8 =	simm.s32 @!p0 $0x1BF5;
	p2 =	por !p2, p0  }
0x20: {  	[sflag:s8] =	ssyncset.s32 @!p0 $0xFFFFF086;
	s6 =	sadd.s32 @!p0 s3, s7;
	s7 =	simm.s32 @!p0 $0x108  }
0x21: {  	s3 =	sadd.s32 s3, s9;
	s6 =	sadd.s32 @!p0 $0x88, s6;
	s7 =	simm.s32 @p2 $0x1082  }
0x22: {  	[simem:s7], [sflag:s8] =	dma.local @!p0 [hbm:s6], $0xF7A  }
0x23: {  	s9 =	sor.u32 $0xD0000000, s2;
	s6 =	simm.s32 $0x108;
	_ =	swait.ge @!p0 [sflag:s8], $0x0  }
0x24: {  	s3 =	sadd.s32 $0x88, s3;
	s6 =	simm.s32 @!p1 $0x1082;
	[sflag:s4] =	ssyncset.s32 $0xFFFFF086  }
0x25: {  	[simem:s6], [sflag:s4] =	dma.local [hbm:s3], $0xF7A  }
0x26: {  	[smem:$0x3F9D] =	sst s1;
	(tag) =	ssettag s2;
	_ =	strace s9  }
0x27: {  	s1 =	sld [smem:$0x3FAD]  }
0x28: {  	s2 =	sld [smem:$0x3FAE]  }
0x29: {  	s4 =	sld [smem:$0x3FB0]  }
0x2a: {  	p0 =	seq.s32 s5, $0x0;
	s5 =	sld [smem:$0x3FB1]  }
0x2b: {  	s6 =	sld [smem:$0x3FB2]  }
0x2c: {  	s7 =	sld [smem:$0x3FB3]  }
0x2d: {  	s3 =	simm.s32 $0x108;
	s8 =	sld [smem:$0x3FB4]  }
0x2e: {  	s3 =	simm.s32 @!p0 $0x1082;
	s9 =	sld [smem:$0x3FB5]  }
0x2f: {  	lr =	sadd.s32 s0, s3;
	s0 =	sld [smem:$0x3FAC]  }
0x30: {  	s3 =	sld [smem:$0x3FAF]  }
0x31: {  	[smem:$0x3FB8] =	sst s10  }
0x32: {  	s10 =	sld [smem:$0x3FB6];
	_ =	sdelay $0x3  }
0x33: {  	p0 =	seq.s32 s10, $0x1;
	s10 =	sld [smem:$0x3FB8];
	_ =	sdelay $0x3  }
0x34: {  	[smem:$0x3FB8] =	sst s10  }
0x35: {  	s10 =	sld [smem:$0x3FB7];
	_ =	sdelay $0x3  }
0x36: {  	p1 =	seq.s32 s10, $0x1;
	s10 =	sld [smem:$0x3FB8];
	_ =	sdelay $0x3  }
0x37: {  	[smem:$0x3FB8] =	sst s10  }
0x38: {  	s10 =	sld [smem:$0x3FB9]  }
0x39: {  	_ = 	snop;
	(pc) =	sbr.ind lr, $3  }
0x3a: {  	_ = 	snop  }
0x3b: {  	_ = 	snop  }
0x3c: {  	p2 =	seq.s32 s10, $0x1;
	s10 =	sld [smem:$0x3FB8]  }
0x3d: {  	_ =	shalt  }
0x3e: {  	_ =	shalt  }
0x3f: {  	_ =	shalt  }
0x40: {  	_ =	shalt  }
0x41: {  	_ =	shalt  }
0x42: {  	_ =	shalt  }
0x43: {  	_ =	shalt  }
0x44: {  	_ =	shalt  }
0x45: {  	_ =	shalt  }
0x46: {  	_ =	shalt  }
0x47: {  	_ =	shalt  }
0x48: {  	_ =	shalt  }
0x49: {  	_ =	shalt  }
0x4a: {  	_ =	shalt  }
0x4b: {  	_ =	shalt  }
0x4c: {  	_ =	shalt  }
0x4d: {  	_ =	shalt  }
0x4e: {  	_ =	shalt  }
0x4f: {  	_ =	shalt  }
0x50: {  	_ =	shalt  }
0x51: {  	_ =	shalt  }
0x52: {  	_ =	shalt  }
0x53: {  	_ =	shalt  }
0x54: {  	_ =	shalt  }
0x55: {  	_ =	shalt  }
0x56: {  	_ =	shalt  }
0x57: {  	_ =	shalt  }
0x58: {  	_ =	shalt  }
0x59: {  	_ =	shalt  }
0x5a: {  	_ =	shalt  }
0x5b: {  	_ =	shalt  }
0x5c: {  	_ =	shalt  }
0x5d: {  	_ =	shalt  }
0x5e: {  	_ =	shalt  }
0x5f: {  	_ =	shalt  }
0x60: {  	_ =	shalt  }
0x61: {  	_ =	shalt  }
0x62: {  	_ =	shalt  }
0x63: {  	_ =	shalt  }
0x64: {  	_ =	shalt  }
0x65: {  	_ =	shalt  }
0x66: {  	_ =	shalt  }
0x67: {  	_ =	shalt  }
0x68: {  	_ =	shalt  }
0x69: {  	_ =	shalt  }
0x6a: {  	_ =	shalt  }
0x6b: {  	_ =	shalt  }
0x6c: {  	_ =	shalt  }
0x6d: {  	_ =	shalt  }
0x6e: {  	_ =	shalt  }
0x6f: {  	_ =	shalt  }
0x70: {  	_ =	shalt  }
0x71: {  	_ =	shalt  }
0x72: {  	_ =	shalt  }
0x73: {  	_ =	shalt  }
0x74: {  	_ =	shalt  }
0x75: {  	_ =	shalt  }
0x76: {  	_ =	shalt  }
0x77: {  	_ =	shalt  }
0x78: {  	_ =	shalt  }
0x79: {  	_ =	shalt  }
0x7a: {  	_ =	shalt  }
0x7b: {  	_ =	shalt  }
0x7c: {  	_ =	shalt  }
0x7d: {  	_ =	shalt  }
0x7e: {  	_ =	shalt  }
0x7f: {  	_ =	shalt  }
0x80: {  	_ =	shalt  }
0x81: {  	_ =	shalt  }
0x82: {  	_ =	shalt  }
0x83: {  	_ =	shalt  }
0x84: {  	_ =	shalt  }
0x85: {  	_ =	shalt  }
0x86: {  	_ =	shalt  }
0x87: {  	_ =	shalt  }
.Lfunc_end0:
.L_simem_size_0:
called_computation.1_lowered:
.L_overlay_start_0:
0x88: {  	s2 =	sld [smem:$0x3FD9]  }
0x89: {  	s3 =	sld [smem:$0x3FFE];
	_ =	sdelay $0x1  }
0x8a: {  	s1 =	srdreg.scid  }
0x8b: {  	s0 =	sand.u32 $0x1, s1  }
0x8c: {  	s17 =	sshll.u32 s0, $0xA;
	s2 =	sadd.s32 s3, s2  }
0x8d: {  	s2 =	sadd.s32 s2, s17  }
0x8e: {  	[smem:$0x3FC4] =	sst s2  }
0x8f: {  	_ = 	snop  }
0x90: {  	s2 =	sld [smem:$0x3FD0];
	(tm) =	ssettm $0x1  }
0x91: {  	s18 =	sld [smem:$0x3FFB];
	_ =	sdelay $0x3  }
0x92: {  	_ =	strace s18  }
0x93: {  	s3 =	sld [smem:$0x3FFC];
	_ =	sdelay $0x3  }
0x94: {  	_ =	strace s3  }
0x95: {  	s3 =	sld [smem:$0x3FFD];
	_ =	sdelay $0x3  }
0x96: {  	_ =	strace s3  }
0x97: {  	_ =	strace $0x8FFFFFFF  }
0x98: {  	s19 =	sld [smem:$0x3FDB];
	_ =	sdelay $0x1  }
0x99: {  	s4 =	simm.s32 $_scs_section_size  }
0x9a: {  	s5 =	simm.s32 $_size__tile_overlayer_lowered;
	s6 =	simm.s32 $_tile_overlayer_lowered  }
0x9b: {  	s22 =	simm.s32 $0x1BFF;
	s21 =	sshll.u32 s6, $0x1;
	s3 =	sadd.s32 s4, s19  }
0x9c: {  	s7 =	simm.s32 $0x0;
	s20 =	sshll.u32 s5, $0x1;
	s5 =	sadd.s32 s21, s3  }
0x9d: {  	[timem:s7], [sflag:s22] =	dma.local [hbm:s5], s20  }
0x9e: {  	_ =	swait.ge [sflag:s22], s20  }
0x9f: {  	s4 =	ssub.s32 $0x0, s20;
	[sflag:s22] =	ssyncset.done $0x0  }
0xa0: {  	[sflag:s22] =	ssyncadd.s32 s4;
	_ =	sdelay $0x1  }
0xa1: {  	s23 =	simm.s32 $0x1B8B  }
0xa2: {  	_ =	swait.ge [sflag:s23], $0x1  }
0xa3: {  	[sflag:s23] =	ssyncset.done $0x0  }
0xa4: {  	s25 =	simm.s32 $0x1B8E;
	s24 =	sld [smem:$0x3FFE];
	[sflag:s23] =	ssyncadd.s32 $0xFFFFFFFF  }
0xa5: {  	s26 =	simm.s32 $execute0_lowered;
	[smem:$0x3FD2] =	sst s25  }
0xa6: {  	s5 =	sshll.u32 s26, $0x1;
	_ =	strace $0x80000049;
	[dreg:$0x1] =	wrdreg $0xFFFFFFFF  }
0xa7: {  	s28 =	simm.s32 $_size_execute0_lowered;
	s3 =	sadd.s32 s3, s5;
	[dreg:$0x0] =	wrdreg $0x0  }
0xa8: {  	s5 =	sshll.u32 s28, $0x1;
	[dreg:$0x2] =	wrdreg s3  }
0xa9: {  	[dreg:$0x3] =	wrdreg s5  }
0xaa: {  	[dreg:$0x4] =	wrdreg $0xC0  }
0xab: {  	_ =	task [dreg:s7], $0x5FFFF  }
0xac: {  	[dreg:$0x1] =	wrdreg $0xFFFFFFFF  }
0xad: {  	[dreg:$0x0] =	wrdreg $0x60  }
0xae: {  	[dreg:$0x2] =	wrdreg s24  }
0xaf: {  	[dreg:$0x3] =	wrdreg s2  }
0xb0: {  	[dreg:$0x4] =	wrdreg $0x7D000  }
0xb1: {  	[dreg:$0x5] =	wrdreg $0x9  }
0xb2: {  	_ =	task.clear_ibuf [dreg:s7], $0x6FFFF;
	_ =	strace $0x90000049  }
0xb3: {  	s29 =	simm.s32 $0x9;
	_ =	strace $0x8000004B  }
0xb4: {  	_ =	swait.ge [sflag:s29], $0x1  }
0xb5: {  	[sflag:s29] =	ssyncadd.s32 $0xFFFFFFFF  }
0xb6: {  	_ =	strace $0x9000004B  }
0xb7: {  	_ =	sfence  }
0xb8: {  	s30 =	sld [smem:$0x0];
	_ =	sdelay $0x2  }
0xb9: {  	s31 =	sshll.u32 s1, $0xD;
	s1 =	sshrl.u32 s1, $0x2  }
0xba: {  	s3 =	sand.u32 $0x4000, s31;
	s1 =	sadd.s32 s1, s30  }
0xbb: {  	s0 =	sor.u32 s3, s0;
	s1 =	sshll.u32 s1, $0x11  }
0xbc: {  	s0 =	sor.u32 s1, s0  }
0xbd: {  	s0 =	sadd.s32 $0x8F2B, s0  }
0xbe: {  	[sflag:s0] =	ssyncadd.remote.s32 $0x1  }
0xbf: {  	_ =	sfence.sel $0xFFFF  }
0xc0: {  	[dreg:$0x0] =	wrdreg $0xFFFFFFFF;
	(pc) =	sbr.abs _section_cstart, $3  }
0xc1: {  	[dreg:$0x1] =	wrdreg $0xFFFFFFFF  }
0xc2: {  	_ =	task.clear_ibuf [dreg:s7], $0x2FFFF;
	_ =	strace $0x9FFFFFFF  }
0xc3: {  	(tm) =	ssettm $0x7FFFFFFF  }
tec
execute0_lowered:
.L_overlay_start_1:
0x0: {  	(tag) =	ssettag $0x1  }
0x1: {  	s0 =	rddreg [dreg:$0x0]  }
0x2: {  	s1 =	rddreg [dreg:$0x1];
	s3 =	srdreg.scid  }
0x3: {  	s2 =	rddreg [dreg:$0x2];
	s6 =	stileid.u32  }
0x4: {  	s14 =	simm.s32 $0x7800;
	s15 =	simm.s32 $0x2;
	s17 =	simm.s32 $0x80  }
0x5: {  	s16 =	simm.s32 $0x5800;
	s18 =	simm.s32 $0x3080;
	s19 =	simm.s32 $0x5880  }
0x6: {  	s20 =	simm.s32 $0x3100;
	s21 =	simm.s32 $0x5900;
	s22 =	simm.s32 $0x3180  }
0x7: {  	s23 =	simm.s32 $0x5980;
	s24 =	simm.s32 $0x1;
	s25 =	simm.s32 $0x0  }
0x8: {  	s4 =	sand.u32 $0x1, s3;
	s3 =	simm.s32 $0x0;
	s8 =	smul.u32 $0x280, s6  }
0x9: {  	s10 =	sadd.s32 $0xA700, s0;
	s5 =	sshll.u32 s4, $0x4;
	[smem:$0x7FF] =	sst s3  }
0xa: {  	s4 =	ssub.s32 $0x2, s4;
	s11 =	sor.u32 s6, s5;
	_ =	strace $0x8000004A  }
0xb: {  	s30 =	sshrl.u32 s8, $0x3;
	s7 =	sshrl.u32 s4, $0x1;
	s8 =	sadd.s32 s8, s2  }
0xc: {  	s5 =	smul.u32 $0x500, s11;
	s9 =	sadd.s32 s30, s0;
	s13 =	ssub.s32 s4, s7  }
.Ltmp0:
0xd: {  	s6 =	sadd.s32 s1, s30;
	p0 =	seq.s32 s11, $0x1F;
	(pc) =	sbr.rel .LBB2_1-.Ltmp0, $4  }
0xe: {  	s1 =	simm.s32 $0x3000;
	s7 =	sadd.s32 $0x14800, s9;
	s13 =	smax.u32 s13, $0x1  }
0xf: {  	s12 =	sadd.s32 s5, s0;
	s5 =	sadd.s32 $0x14500, s0;
	s0 =	sadd.s32 $0x1E900, s0  }
0x10: {  	s4 =	sadd.s32 $0xAA00, s12;
	s31 =	sadd.s32 $0x14E00, s12;
	[dreg:$0x5] =	wrdreg s0  }
0x11: {  	s9 =	sadd.s32 $0xC00, s12;
	s12 =	simm.s32 $0x5780;
	[dreg:$0x4] =	wrdreg s31  }
.LBB2_12:
0x12: {  	s0 =	rddreg [dreg:$0x5]  }
0x13: {  	[hbm4b:s0+s3] =	stream.linear.scatter [tilespmem:s3], [sflag:$0x2], $0xA00, $0x38;
	[tilespmem:$0x7F80] =	vst v63  }
0x14: {  	_ =	swait.ge [sflag:s15], $0xA00  }
0x15: {  	[sflag:s15] =	ssyncset.done $0x0  }
0x16: {  	[sflag:s15] =	ssyncadd.s32 $0xFFFFF600  }
.LBB2_13:
0x17: {  	s25 =	sadd.s32 $0x1, s25  }
0x18: {  	p1 =	sne.s32 s25, s13  }
.Ltmp1:
0x19: {  	_ = 	snop;
	(pc) =	sbr.rel @!p1 .LBB2_14-.Ltmp1, $1  }
0x1a: {  	_ =	sdelay $0x3  }
.LBB2_1:
0x1b: {  	s28 =	simm.s32 @p0 $0x0  }
0x1c: {  	[tilespmem:s28], [sflag:$0x1] =	stream.linear.gather @p0 [hbm4b:s5+s28], $0xA00, $0x38;
	[tilespmem:$0x7F80] =	vst v63  }
0x1d: {  	s26 =	simm.s32 @!p0 $0x0  }
0x1e: {  	[tilespmem:s26], [sflag:$0x1] =	stream.linear.gather @!p0 [hbm4b:s4+s26], $0x2800, $0x38;
	[tilespmem:$0x7F80] =	vst v63  }
0x1f: {  	_ = 	snop  }
0x20: {  	[tilespmem:s14], [sflag:$0x2] =	stream.linear.gather [hbm4b:s6+s3], $0x280, $0x38;
	[tilespmem:$0x7F80] =	vst v63  }
0x21: {  	_ =	swait.ge [sflag:s15], $0x280  }
0x22: {  	[sflag:s15] =	ssyncset.done $0x0  }
0x23: {  	s0 =	simm.s32 $0x7A80;
	[sflag:s15] =	ssyncadd.s32 $0xFFFFFD80  }
0x24: {  	[tilespmem:s0], [sflag:$0x2] =	stream.linear.gather [hbm4b:s7+s3], $0x280, $0x38;
	[tilespmem:$0x7F80] =	vst v63  }
0x25: {  	_ =	swait.ge [sflag:s15], $0x280  }
0x26: {  	[sflag:s15] =	ssyncset.done $0x0  }
0x27: {  	[sflag:s15] =	ssyncadd.s32 $0xFFFFFD80  }
0x28: {  	v0 =	vld [tilespmem:$0x7800]  }
0x29: {  	v1 =	vld [tilespmem:$0x7A80]  }
0x2a: {  	v2 =	vld [tilespmem:$0x7810]  }
0x2b: {  	v3 =	vld [tilespmem:$0x7A90]  }
0x2c: {  	v4 =	vld [tilespmem:$0x7820]  }
0x2d: {  	v5 =	vld [tilespmem:$0x7AA0]  }
0x2e: {  	v6 =	vld [tilespmem:$0x7830]  }
0x2f: {  	v7 =	vld [tilespmem:$0x7AB0]  }
0x30: {  	v8 =	vld [tilespmem:$0x7840]  }
0x31: {  	v9 =	vld [tilespmem:$0x7AC0]  }
0x32: {  	v10 =	vld [tilespmem:$0x7850]  }
0x33: {  	v11 =	vld [tilespmem:$0x7AD0]  }
0x34: {  	v12 =	vld [tilespmem:$0x7860]  }
0x35: {  	v13 =	vld [tilespmem:$0x7AE0]  }
0x36: {  	v14 =	vld [tilespmem:$0x7870]  }
0x37: {  	v15 =	vld [tilespmem:$0x7AF0]  }
0x38: {  	v16 =	vld [tilespmem:$0x7880]  }
0x39: {  	v17 =	vld [tilespmem:$0x7B00]  }
0x3a: {  	v18 =	vld [tilespmem:$0x7890]  }
0x3b: {  	v19 =	vld [tilespmem:$0x7B10]  }
0x3c: {  	v20 =	vld [tilespmem:$0x78A0]  }
0x3d: {  	v21 =	vld [tilespmem:$0x7B20]  }
0x3e: {  	v22 =	vld [tilespmem:$0x78B0]  }
0x3f: {  	v23 =	vld [tilespmem:$0x7B30]  }
0x40: {  	v24 =	vld [tilespmem:$0x78C0]  }
0x41: {  	v25 =	vld [tilespmem:$0x7B40]  }
0x42: {  	v26 =	vld [tilespmem:$0x78D0]  }
0x43: {  	v27 =	vld [tilespmem:$0x7B50]  }
0x44: {  	v28 =	vld [tilespmem:$0x78E0]  }
0x45: {  	v29 =	vld [tilespmem:$0x7B60]  }
0x46: {  	v30 =	vld [tilespmem:$0x78F0]  }
0x47: {  	v31 =	vld [tilespmem:$0x7B70]  }
0x48: {  	v32 =	vld [tilespmem:$0x7900]  }
0x49: {  	v33 =	vld [tilespmem:$0x7B80]  }
0x4a: {  	v34 =	vld [tilespmem:$0x7910]  }
0x4b: {  	v35 =	vld [tilespmem:$0x7B90]  }
0x4c: {  	v36 =	vld [tilespmem:$0x7920]  }
0x4d: {  	v37 =	vld [tilespmem:$0x7BA0]  }
0x4e: {  	v38 =	vld [tilespmem:$0x7930]  }
0x4f: {  	v39 =	vld [tilespmem:$0x7BB0]  }
0x50: {  	v40 =	vld [tilespmem:$0x7940]  }
0x51: {  	v41 =	vld [tilespmem:$0x7BC0]  }
0x52: {  	v42 =	vld [tilespmem:$0x7950]  }
0x53: {  	v43 =	vld [tilespmem:$0x7BD0]  }
0x54: {  	v44 =	vld [tilespmem:$0x7960]  }
0x55: {  	v45 =	vld [tilespmem:$0x79A0];
	v0 =	vadd.f32 v1, v0  }
0x56: {  	v47 =	vld [tilespmem:$0x7C20];
	v2 =	vadd.f32 v3, v2  }
0x57: {  	v49 =	vld [tilespmem:$0x79B0];
	v60 =	vadd.f32 v5, v4;
	[tilespmem:$0x7800] =	vst v0  }
0x58: {  	v51 =	vld [tilespmem:$0x7C30];
	v61 =	vadd.f32 v7, v6;
	[tilespmem:$0x7810] =	vst v2  }
0x59: {  	v53 =	vld [tilespmem:$0x79C0];
	v62 =	vadd.f32 v9, v8;
	[tilespmem:$0x7820] =	vst v60  }
0x5a: {  	v55 =	vld [tilespmem:$0x7C40];
	v63 =	vadd.f32 v11, v10;
	[tilespmem:$0x7830] =	vst v61  }
0x5b: {  	v57 =	vld [tilespmem:$0x79D0];
	v13 =	vadd.f32 v13, v12;
	[tilespmem:$0x7840] =	vst v62  }
0x5c: {  	v59 =	vld [tilespmem:$0x7C50];
	v15 =	vadd.f32 v15, v14;
	[tilespmem:$0x7850] =	vst v63  }
0x5d: {  	v1 =	vld [tilespmem:$0x7BE0];
	v46 =	vadd.f32 v17, v16;
	[tilespmem:$0x7860] =	vst v13  }
0x5e: {  	v3 =	vld [tilespmem:$0x7970];
	v48 =	vadd.f32 v19, v18;
	[tilespmem:$0x7870] =	vst v15  }
0x5f: {  	v4 =	vld [tilespmem:$0x7BF0];
	v50 =	vadd.f32 v21, v20;
	[tilespmem:$0x7880] =	vst v46  }
0x60: {  	v5 =	vld [tilespmem:$0x7980];
	v52 =	vadd.f32 v23, v22;
	[tilespmem:$0x7890] =	vst v48  }
0x61: {  	v6 =	vld [tilespmem:$0x7C00];
	v54 =	vadd.f32 v25, v24;
	[tilespmem:$0x78A0] =	vst v50  }
0x62: {  	v7 =	vld [tilespmem:$0x7990];
	v56 =	vadd.f32 v27, v26;
	[tilespmem:$0x78B0] =	vst v52  }
0x63: {  	v8 =	vld [tilespmem:$0x7C10];
	v58 =	vadd.f32 v29, v28;
	[tilespmem:$0x78C0] =	vst v54  }
0x64: {  	v24 =	vadd.f32 v35, v34;
	v25 =	vld [tilespmem:$0x79F0];
	[tilespmem:$0x78D0] =	vst v56  }
0x65: {  	v26 =	vadd.f32 v37, v36;
	v27 =	vld [tilespmem:$0x7C70];
	[tilespmem:$0x78E0] =	vst v58  }
0x66: {  	v28 =	vadd.f32 v39, v38;
	v29 =	vld [tilespmem:$0x7A00];
	[tilespmem:$0x7910] =	vst v24  }
0x67: {  	v35 =	vld [tilespmem:$0x7C90];
	v60 =	vadd.f32 v31, v30;
	[tilespmem:$0x7920] =	vst v26  }
0x68: {  	v37 =	vld [tilespmem:$0x7A20];
	v62 =	vadd.f32 v33, v32;
	[tilespmem:$0x7930] =	vst v28  }
0x69: {  	v39 =	vld [tilespmem:$0x7CA0];
	v30 =	vadd.f32 v41, v40;
	[tilespmem:$0x78F0] =	vst v60  }
0x6a: {  	v61 =	vld [tilespmem:$0x79E0];
	v32 =	vadd.f32 v43, v42;
	[tilespmem:$0x7900] =	vst v62  }
0x6b: {  	v63 =	vld [tilespmem:$0x7C60];
	v42 =	vadd.f32 v47, v45;
	[tilespmem:$0x7940] =	vst v30  }
0x6c: {  	v31 =	vld [tilespmem:$0x7C80];
	v46 =	vadd.f32 v55, v53;
	[tilespmem:$0x7950] =	vst v32  }
0x6d: {  	v33 =	vld [tilespmem:$0x7A10];
	v48 =	vadd.f32 v59, v57;
	[tilespmem:$0x79A0] =	vst v42  }
0x6e: {  	v41 =	vld [tilespmem:$0x7A30];
	[tilespmem:$0x79C0] =	vst v46;
	v34 =	vadd.f32 v1, v44  }
0x6f: {  	v43 =	vld [tilespmem:$0x7CB0];
	[tilespmem:$0x79D0] =	vst v48;
	v36 =	vadd.f32 v4, v3  }
0x70: {  	v45 =	vld [tilespmem:$0x7A40];
	v38 =	vadd.f32 v6, v5;
	[tilespmem:$0x7960] =	vst v34  }
0x71: {  	v47 =	vld [tilespmem:$0x7CC0];
	v40 =	vadd.f32 v8, v7;
	[tilespmem:$0x7970] =	vst v36  }
0x72: {  	v53 =	vld [tilespmem:$0x7A60];
	v44 =	vadd.f32 v51, v49;
	[tilespmem:$0x7980] =	vst v38  }
0x73: {  	v55 =	vld [tilespmem:$0x7CE0];
	v52 =	vadd.f32 v27, v25;
	[tilespmem:$0x7990] =	vst v40  }
0x74: {  	v56 =	vld [tilespmem:$0x7A70];
	v57 =	vadd.f32 v39, v37;
	[tilespmem:$0x79B0] =	vst v44  }
0x75: {  	v58 =	vld [tilespmem:$0x7CF0];
	v50 =	vadd.f32 v63, v61;
	[tilespmem:$0x79F0] =	vst v52  }
0x76: {  	v49 =	vld [tilespmem:$0x7A50];
	v54 =	vadd.f32 v31, v29;
	[tilespmem:$0x7A20] =	vst v57  }
0x77: {  	v51 =	vld [tilespmem:$0x7CD0];
	v1 =	vadd.f32 v35, v33;
	[tilespmem:$0x79E0] =	vst v50  }
0x78: {  	v59 =	vadd.f32 v43, v41;
	[tilespmem:$0x7A00] =	vst v54  }
0x79: {  	v60 =	vadd.f32 v47, v45;
	[tilespmem:$0x7A10] =	vst v1  }
0x7a: {  	v62 =	vadd.f32 v55, v53;
	[tilespmem:$0x7A30] =	vst v59  }
0x7b: {  	v63 =	vadd.f32 v58, v56;
	[tilespmem:$0x7A40] =	vst v60  }
0x7c: {  	[tilespmem:$0x7A60] =	vst v62;
	v61 =	vadd.f32 v51, v49  }
0x7d: {  	[tilespmem:$0x7A70] =	vst v63  }
0x7e: {  	[tilespmem:$0x7A50] =	vst v61  }
0x7f: {  	[spmem:s8] =	stream.linear.scatter [tilespmem:s14], [sflag:$0x2], $0x280, $0x38;
	[tilespmem:$0x7F80] =	vst v63  }
0x80: {  	_ =	swait.ge [sflag:s15], $0x280  }
0x81: {  	[sflag:s15] =	ssyncset.done $0x0  }
0x82: {  	s29 =	simm.s32 @p0 $0x2800;
	[sflag:s15] =	ssyncadd.s32 $0xFFFFFD80  }
0x83: {  	[tilespmem:s29], [sflag:$0x2] =	stream.linear.gather @p0 [hbm4b:s10+s28], $0xA00, $0x38;
	[tilespmem:$0x7F80] =	vst v63  }
0x84: {  	s28 =	simm.s32 @p0 $0x2  }
0x85: {  	_ =	swait.ge @p0 [sflag:s28], $0xA00  }
0x86: {  	[sflag:s28] =	ssyncset.done @p0 $0x0  }
0x87: {  	[sflag:s28] =	ssyncadd.s32 @p0 $0xFFFFF600;
	s28 =	simm.s32 @p0 $0x1  }
0x88: {  	_ =	swait.ge @p0 [sflag:s28], $0xA00  }
0x89: {  	[sflag:s28] =	ssyncset.done @p0 $0x0  }
0x8a: {  	[sflag:s28] =	ssyncadd.s32 @p0 $0xFFFFF600;
	s28 =	simm.s32 @!p0 $0x2800  }
0x8b: {  	[tilespmem:s28], [sflag:$0x2] =	stream.linear.gather @!p0 [hbm4b:s9+s26], $0x2800, $0x38;
	[tilespmem:$0x7F80] =	vst v63  }
0x8c: {  	s26 =	simm.s32 @!p0 $0x2  }
0x8d: {  	_ =	swait.ge @!p0 [sflag:s26], $0x2800  }
0x8e: {  	[sflag:s26] =	ssyncset.done @!p0 $0x0  }
0x8f: {  	[sflag:s26] =	ssyncadd.s32 @!p0 $0xFFFFD800;
	s26 =	simm.s32 @!p0 $0x1  }
0x90: {  	_ =	swait.ge @!p0 [sflag:s26], $0x2800  }
0x91: {  	[sflag:s26] =	ssyncset.done @!p0 $0x0  }
0x92: {  	[sflag:s26] =	ssyncadd.s32 @!p0 $0xFFFFD800  }
0x93: {  	[bflag:$0x0] =	sbarrier.arrive $0xFFFF  }
0x94: {  	s31 =	simm.s32 $0x2800;
	s11 =	simm.s32 $0x5000;
	[bflag:$0x0] =	sbarrier.arrive $0xFFFF  }
0x95: {  	[tilespmem:s11], [sflag:$0x1] =	stream.indirect.gather [spmem:s2], $0x1, s31, s17, $0xb8;
	[tilespmem:$0x7F80] =	vst v63  }
0x96: {  	s26 =	simm.s32 $0x5080;
	s11 =	simm.s32 $0x2880  }
0x97: {  	[tilespmem:s26], [sflag:$0x1] =	stream.indirect.gather [spmem:s2], $0x1, s11, s17, $0xb8;
	[tilespmem:$0x7F80] =	vst v63  }
0x98: {  	s29 =	simm.s32 $0x5100;
	s28 =	simm.s32 $0x2900  }
0x99: {  	[tilespmem:s29], [sflag:$0x1] =	stream.indirect.gather [spmem:s2], $0x1, s28, s17, $0xb8;
	[tilespmem:$0x7F80] =	vst v63  }
0x9a: {  	s30 =	simm.s32 $0x2980;
	s31 =	simm.s32 $0x5180  }
0x9b: {  	[tilespmem:s31], [sflag:$0x1] =	stream.indirect.gather [spmem:s2], $0x1, s30, s17, $0xb8;
	[tilespmem:$0x7F80] =	vst v63  }
0x9c: {  	s11 =	simm.s32 $0x2A00;
	s26 =	simm.s32 $0x5200  }
0x9d: {  	[tilespmem:s26], [sflag:$0x1] =	stream.indirect.gather [spmem:s2], $0x1, s11, s17, $0xb8;
	[tilespmem:$0x7F80] =	vst v63  }
0x9e: {  	s28 =	simm.s32 $0x2A80;
	s29 =	simm.s32 $0x5280  }
0x9f: {  	[tilespmem:s29], [sflag:$0x1] =	stream.indirect.gather [spmem:s2], $0x1, s28, s17, $0xb8;
	[tilespmem:$0x7F80] =	vst v63  }
0xa0: {  	s30 =	simm.s32 $0x2B00;
	s31 =	simm.s32 $0x5300  }
0xa1: {  	[tilespmem:s31], [sflag:$0x1] =	stream.indirect.gather [spmem:s2], $0x1, s30, s17, $0xb8;
	[tilespmem:$0x7F80] =	vst v63  }
0xa2: {  	s11 =	simm.s32 $0x2B80;
	s26 =	simm.s32 $0x5380  }
0xa3: {  	[tilespmem:s26], [sflag:$0x1] =	stream.indirect.gather [spmem:s2], $0x1, s11, s17, $0xb8;
	[tilespmem:$0x7F80] =	vst v63  }
0xa4: {  	s28 =	simm.s32 $0x2C00;
	s29 =	simm.s32 $0x5400  }
0xa5: {  	[tilespmem:s29], [sflag:$0x1] =	stream.indirect.gather [spmem:s2], $0x1, s28, s17, $0xb8;
	[tilespmem:$0x7F80] =	vst v63  }
0xa6: {  	s30 =	simm.s32 $0x2C80;
	s31 =	simm.s32 $0x5480  }
0xa7: {  	[tilespmem:s31], [sflag:$0x1] =	stream.indirect.gather [spmem:s2], $0x1, s30, s17, $0xb8;
	[tilespmem:$0x7F80] =	vst v63  }
0xa8: {  	s11 =	simm.s32 $0x2D00;
	s26 =	simm.s32 $0x5500  }
0xa9: {  	[tilespmem:s26], [sflag:$0x1] =	stream.indirect.gather [spmem:s2], $0x1, s11, s17, $0xb8;
	[tilespmem:$0x7F80] =	vst v63  }
0xaa: {  	s28 =	simm.s32 $0x2D80;
	s29 =	simm.s32 $0x5580  }
0xab: {  	[tilespmem:s29], [sflag:$0x1] =	stream.indirect.gather [spmem:s2], $0x1, s28, s17, $0xb8;
	[tilespmem:$0x7F80] =	vst v63  }
0xac: {  	s30 =	simm.s32 $0x2E00;
	s31 =	simm.s32 $0x5600  }
0xad: {  	[tilespmem:s31], [sflag:$0x1] =	stream.indirect.gather [spmem:s2], $0x1, s30, s17, $0xb8;
	[tilespmem:$0x7F80] =	vst v63  }
0xae: {  	s26 =	simm.s32 $0x2E80;
	s28 =	simm.s32 $0x5680  }
0xaf: {  	[tilespmem:s28], [sflag:$0x1] =	stream.indirect.gather [spmem:s2], $0x1, s26, s17, $0xb8;
	[tilespmem:$0x7F80] =	vst v63  }
0xb0: {  	s29 =	simm.s32 $0x2F00;
	s30 =	simm.s32 $0x5700  }
0xb1: {  	[tilespmem:s30], [sflag:$0x1] =	stream.indirect.gather [spmem:s2], $0x1, s29, s17, $0xb8;
	[tilespmem:$0x7F80] =	vst v63  }
0xb2: {  	s31 =	simm.s32 $0x2F80  }
0xb3: {  	[tilespmem:s12], [sflag:$0x1] =	stream.indirect.gather [spmem:s2], $0x1, s31, s17, $0xb8;
	[tilespmem:$0x7F80] =	vst v63  }
0xb4: {  	_ = 	snop  }
0xb5: {  	[tilespmem:s16], [sflag:$0x1] =	stream.indirect.gather [spmem:s2], $0x1, s1, s17, $0xb8;
	[tilespmem:$0x7F80] =	vst v63  }
0xb6: {  	_ = 	snop  }
0xb7: {  	[tilespmem:s19], [sflag:$0x1] =	stream.indirect.gather [spmem:s2], $0x1, s18, s17, $0xb8;
	[tilespmem:$0x7F80] =	vst v63  }
.Ltmp2:
0xb8: {  	_ = 	snop;
	(pc) =	sbr.rel @!p0 .LBB2_2-.Ltmp2, $4  }
0xb9: {  	_ = 	snop  }
0xba: {  	[tilespmem:s21], [sflag:$0x1] =	stream.indirect.gather [spmem:s2], $0x1, s20, s17, $0xb8;
	[tilespmem:$0x7F80] =	vst v63  }
0xbb: {  	s26 =	simm.s32 $0x10  }
0xbc: {  	[tilespmem:s23], [sflag:$0x1] =	stream.indirect.gather [spmem:s2], $0x1, s22, s17, $0xb8;
	[tilespmem:$0x7F80] =	vst v63  }
.Ltmp3:
0xbd: {  	(pc) =	sbr.rel .LBB2_6-.Ltmp3, $4  }
0xbe: {  	_ = 	snop  }
0xbf: {  	_ =	swait.ge [sflag:s24], $0xA00  }
0xc0: {  	[sflag:s24] =	ssyncset.done $0x0  }
0xc1: {  	[sflag:s24] =	ssyncadd.s32 $0xFFFFF600  }
.LBB2_2:
0xc2: {  	s28 =	sshra.s32 s3, $0x2  }
0xc3: {  	s29 =	sadd.s32 $0x5A00, s28;
	s30 =	sadd.s32 $0x3200, s28  }
0xc4: {  	[tilespmem:s29], [sflag:$0x1] =	stream.indirect.gather [spmem:s2], $0x1, s30, s17, $0xb8;
	[tilespmem:$0x7F80] =	vst v63  }
0xc5: {  	s29 =	sadd.s32 $0x5A80, s28;
	s30 =	sadd.s32 $0x3280, s28  }
0xc6: {  	[tilespmem:s29], [sflag:$0x1] =	stream.indirect.gather [spmem:s2], $0x1, s30, s17, $0xb8;
	[tilespmem:$0x7F80] =	vst v63  }
0xc7: {  	s26 =	sadd.s32 $0x4, s26;
	s29 =	sadd.s32 $0x5B00, s28;
	s30 =	sadd.s32 $0x3300, s28  }
0xc8: {  	[tilespmem:s29], [sflag:$0x1] =	stream.indirect.gather [spmem:s2], $0x1, s30, s17, $0xb8;
	[tilespmem:$0x7F80] =	vst v63  }
0xc9: {  	s29 =	sadd.s32 $0x5B80, s28;
	s30 =	sadd.s32 $0x3380, s28;
	s28 =	sadd.s32 $0x800, s3  }
.LBB2_3:
0xca: {  	[tilespmem:s29], [sflag:$0x1] =	stream.indirect.gather [spmem:s2], $0x1, s30, s17, $0xb8;
	[tilespmem:$0x7F80] =	vst v63  }
0xcb: {  	s30 =	sshra.s32 s28, $0x2;
	s26 =	sadd.s32 $0x4, s26  }
0xcc: {  	s29 =	sadd.s32 $0x5A00, s30;
	s31 =	sadd.s32 $0x3200, s30;
	p1 =	slt.u32 s26, $0x4C  }
0xcd: {  	[tilespmem:s29], [sflag:$0x1] =	stream.indirect.gather [spmem:s2], $0x1, s31, s17, $0xb8;
	[tilespmem:$0x7F80] =	vst v63  }
.Ltmp4:
0xce: {  	s29 =	sadd.s32 $0x5A80, s30;
	s31 =	sadd.s32 $0x3280, s30;
	(pc) =	sbr.rel @p1 .LBB2_3-.Ltmp4, $4  }
0xcf: {  	[tilespmem:s29], [sflag:$0x1] =	stream.indirect.gather [spmem:s2], $0x1, s31, s17, $0xb8;
	[tilespmem:$0x7F80] =	vst v63  }
0xd0: {  	s29 =	sadd.s32 $0x5B00, s30;
	s31 =	sadd.s32 $0x3300, s30  }
0xd1: {  	[tilespmem:s29], [sflag:$0x1] =	stream.indirect.gather [spmem:s2], $0x1, s31, s17, $0xb8;
	[tilespmem:$0x7F80] =	vst v63  }
0xd2: {  	s28 =	sadd.s32 $0x800, s28;
	s29 =	sadd.s32 $0x5B80, s30;
	s30 =	sadd.s32 $0x3380, s30  }
0xd3: {  	[tilespmem:s29], [sflag:$0x1] =	stream.indirect.gather [spmem:s2], $0x1, s30, s17, $0xb8;
	[tilespmem:$0x7F80] =	vst v63  }
0xd4: {  	_ =	swait.ge [sflag:s24], $0x2800  }
0xd5: {  	[sflag:s24] =	ssyncset.done $0x0  }
0xd6: {  	[sflag:s24] =	ssyncadd.s32 $0xFFFFD800  }
.LBB2_6:
0xd7: {  	s26 =	simm.s32 $0x0  }
0xd8: {  	s26 =	sand.u32 $0x3E00, s26  }
0xd9: {  	s28 =	simm.s32 $0x0;
	s26 =	sshrl.u32 s26, $0x2  }
0xda: {  	s28 =	sand.u32 $0x40, s28;
	s29 =	sor.u32 $0x5000, s26  }
0xdb: {  	s26 =	sor.u32 s28, s29  }
0xdc: {  	v0 =	vld [tilespmem:s26+$0x0];
	_ =	sdelay $0x4  }
0xdd: {  	(erf) = vrcp.f32 v0;
	_ =	sdelay $0x3  }
0xde: {  	s26 =	simm.s32 $0x0  }
0xdf: {  	v0 =	vld [tilespmem:s26+$0x0];
	_ =	sdelay $0x3  }
0xe0: {  	v1 =	vpop (erf)  }
0xe1: {  	s28 =	simm.s32 $0x10;
	v0 =	vmul.f32 v1, v0  }
0xe2: {  	s28 =	sand.u32 $0x50, s28  }
0xe3: {  	s28 =	sor.u32 s28, s29;
	[tilespmem:s26+$0x0] =	vst v0  }
0xe4: {  	v0 =	vld [tilespmem:s28+$0x0];
	_ =	sdelay $0x4  }
0xe5: {  	(erf) = vrcp.f32 v0;
	_ =	sdelay $0x4  }
0xe6: {  	v0 =	vld [tilespmem:s26+$0x10];
	_ =	sdelay $0x3  }
0xe7: {  	v1 =	vpop (erf)  }
0xe8: {  	s28 =	simm.s32 $0x20;
	v0 =	vmul.f32 v1, v0  }
0xe9: {  	s28 =	sand.u32 $0x60, s28  }
0xea: {  	s28 =	sor.u32 s28, s29;
	[tilespmem:s26+$0x10] =	vst v0  }
0xeb: {  	v0 =	vld [tilespmem:s28+$0x0];
	_ =	sdelay $0x4  }
0xec: {  	(erf) = vrcp.f32 v0;
	_ =	sdelay $0x4  }
0xed: {  	v0 =	vld [tilespmem:s26+$0x20];
	_ =	sdelay $0x3  }
0xee: {  	v1 =	vpop (erf)  }
0xef: {  	s28 =	simm.s32 $0x30;
	v0 =	vmul.f32 v1, v0  }
0xf0: {  	s30 =	sand.u32 $0x70, s28  }
0xf1: {  	s29 =	sor.u32 s30, s29;
	[tilespmem:s26+$0x20] =	vst v0  }
0xf2: {  	v0 =	vld [tilespmem:s29+$0x0];
	_ =	sdelay $0x4  }
0xf3: {  	(erf) = vrcp.f32 v0;
	_ =	sdelay $0x4  }
0xf4: {  	v0 =	vld [tilespmem:s26+$0x30];
	_ =	sdelay $0x2  }
0xf5: {  	s30 =	simm.s32 $0x100;
	s29 =	simm.s32 $0x0  }
.LBB2_7:
0xf6: {  	s31 =	sand.u32 $0x3E00, s30;
	s29 =	sadd.s32 $0x4, s29;
	s28 =	sadd.s32 $0x40, s28;
	v1 =	vpop (erf)  }
0xf7: {  	s11 =	sadd.s32 $0xFFFFFFD0, s28;
	s31 =	sshrl.u32 s31, $0x2;
	p1 =	slt.u32 s29, $0x9C;
	v0 =	vmul.f32 v1, v0  }
0xf8: {  	s11 =	sand.u32 $0x40, s11;
	s31 =	sor.u32 $0x5000, s31  }
0xf9: {  	s11 =	sor.u32 s11, s31;
	[tilespmem:s26+$0x30] =	vst v0  }
0xfa: {  	v0 =	vld [tilespmem:s11+$0x0];
	_ =	sdelay $0x4  }
0xfb: {  	(erf) = vrcp.f32 v0;
	_ =	sdelay $0x3  }
0xfc: {  	s26 =	sshra.s32 s30, $0x2  }
0xfd: {  	v0 =	vld [tilespmem:s26+$0x0];
	_ =	sdelay $0x3  }
0xfe: {  	v1 =	vpop (erf)  }
0xff: {  	s11 =	sadd.s32 $0xFFFFFFE0, s28;
	v0 =	vmul.f32 v1, v0  }
0x100: {  	s11 =	sand.u32 $0x50, s11  }
0x101: {  	s11 =	sor.u32 s11, s31;
	[tilespmem:s26+$0x0] =	vst v0  }
0x102: {  	v0 =	vld [tilespmem:s11+$0x0];
	_ =	sdelay $0x4  }
0x103: {  	(erf) = vrcp.f32 v0;
	_ =	sdelay $0x4  }
0x104: {  	v0 =	vld [tilespmem:s26+$0x10];
	_ =	sdelay $0x3  }
0x105: {  	v1 =	vpop (erf)  }
0x106: {  	s11 =	sadd.s32 $0xFFFFFFF0, s28;
	v0 =	vmul.f32 v1, v0  }
0x107: {  	s11 =	sand.u32 $0x60, s11  }
0x108: {  	s11 =	sor.u32 s11, s31;
	[tilespmem:s26+$0x10] =	vst v0  }
0x109: {  	v0 =	vld [tilespmem:s11+$0x0];
	_ =	sdelay $0x4  }
0x10a: {  	(erf) = vrcp.f32 v0;
	_ =	sdelay $0x4  }
0x10b: {  	v0 =	vld [tilespmem:s26+$0x20];
	_ =	sdelay $0x3  }
0x10c: {  	v1 =	vpop (erf)  }
0x10d: {  	v0 =	vmul.f32 v1, v0  }
0x10e: {  	s11 =	sand.u32 $0x70, s28  }
0x10f: {  	s11 =	sor.u32 s11, s31;
	[tilespmem:s26+$0x20] =	vst v0  }
0x110: {  	v0 =	vld [tilespmem:s11+$0x0];
	_ =	sdelay $0x4  }
0x111: {  	(erf) = vrcp.f32 v0;
	_ =	sdelay $0x3  }
.Ltmp5:
0x112: {  	(pc) =	sbr.rel @p1 .LBB2_7-.Ltmp5, $2  }
0x113: {  	v0 =	vld [tilespmem:s26+$0x30];
	_ =	sdelay $0x2  }
0x114: {  	s30 =	sadd.s32 $0x100, s30  }
.Ltmp6:
0x115: {  	(pc) =	sbr.rel @p0 .LBB2_12-.Ltmp6, $3  }
0x116: {  	v1 =	vpop (erf)  }
0x117: {  	v0 =	vmul.f32 v1, v0;
	_ =	sdelay $0x1  }
0x118: {  	[tilespmem:s26+$0x30] =	vst v0  }
0x119: {  	s11 =	simm.s32 $0x2800  }
0x11a: {  	s11 =	sand.u32 $0xFE00, s11  }
0x11b: {  	s26 =	simm.s32 $0xA00;
	s11 =	sshrl.u32 s11, $0x2  }
0x11c: {  	s26 =	sand.u32 $0x40, s26;
	s11 =	sadd.s32 $0x5000, s11  }
0x11d: {  	s26 =	sor.u32 s26, s11  }
0x11e: {  	v0 =	vld [tilespmem:s26+$0x0];
	_ =	sdelay $0x4  }
0x11f: {  	(erf) = vrcp.f32 v0;
	_ =	sdelay $0x3  }
0x120: {  	s26 =	simm.s32 $0xA00  }
0x121: {  	v0 =	vld [tilespmem:s26+$0x0];
	_ =	sdelay $0x3  }
0x122: {  	v1 =	vpop (erf)  }
0x123: {  	s28 =	simm.s32 $0xA10;
	v0 =	vmul.f32 v1, v0  }
0x124: {  	s28 =	sand.u32 $0x50, s28  }
0x125: {  	s28 =	sor.u32 s28, s11;
	[tilespmem:s26+$0x0] =	vst v0  }
0x126: {  	v0 =	vld [tilespmem:s28+$0x0];
	_ =	sdelay $0x4  }
0x127: {  	(erf) = vrcp.f32 v0;
	_ =	sdelay $0x4  }
0x128: {  	v0 =	vld [tilespmem:s26+$0x10];
	_ =	sdelay $0x3  }
0x129: {  	v1 =	vpop (erf)  }
0x12a: {  	s28 =	simm.s32 $0xA20;
	v0 =	vmul.f32 v1, v0  }
0x12b: {  	s28 =	sand.u32 $0x60, s28  }
0x12c: {  	s28 =	sor.u32 s28, s11;
	[tilespmem:s26+$0x10] =	vst v0  }
0x12d: {  	v0 =	vld [tilespmem:s28+$0x0];
	_ =	sdelay $0x4  }
0x12e: {  	(erf) = vrcp.f32 v0;
	_ =	sdelay $0x4  }
0x12f: {  	v0 =	vld [tilespmem:s26+$0x20];
	_ =	sdelay $0x3  }
0x130: {  	v1 =	vpop (erf)  }
0x131: {  	s28 =	simm.s32 $0xA30;
	v0 =	vmul.f32 v1, v0  }
0x132: {  	s29 =	sand.u32 $0x70, s28  }
0x133: {  	s11 =	sor.u32 s29, s11;
	[tilespmem:s26+$0x20] =	vst v0  }
0x134: {  	v0 =	vld [tilespmem:s11+$0x0];
	_ =	sdelay $0x4  }
0x135: {  	(erf) = vrcp.f32 v0;
	_ =	sdelay $0x4  }
0x136: {  	v0 =	vld [tilespmem:s26+$0x30];
	_ =	sdelay $0x2  }
0x137: {  	s30 =	simm.s32 $0x2900;
	s29 =	simm.s32 $0xA0  }
.LBB2_10:
0x138: {  	s11 =	sand.u32 $0xFE00, s30;
	s29 =	sadd.s32 $0x4, s29;
	s28 =	sadd.s32 $0x40, s28;
	v1 =	vpop (erf)  }
0x139: {  	s31 =	sadd.s32 $0xFFFFFFD0, s28;
	s11 =	sshrl.u32 s11, $0x2;
	p1 =	slt.u32 s29, $0x27C;
	v0 =	vmul.f32 v1, v0  }
0x13a: {  	s0 =	sand.u32 $0x40, s31;
	s31 =	sadd.s32 $0x5000, s11  }
0x13b: {  	s0 =	sor.u32 s0, s31;
	[tilespmem:s26+$0x30] =	vst v0  }
0x13c: {  	v0 =	vld [tilespmem:s0+$0x0];
	_ =	sdelay $0x4  }
0x13d: {  	(erf) = vrcp.f32 v0;
	_ =	sdelay $0x3  }
0x13e: {  	s26 =	sshra.s32 s30, $0x2  }
0x13f: {  	v0 =	vld [tilespmem:s26+$0x0];
	_ =	sdelay $0x3  }
0x140: {  	v1 =	vpop (erf)  }
0x141: {  	s0 =	sadd.s32 $0xFFFFFFE0, s28;
	v0 =	vmul.f32 v1, v0  }
0x142: {  	s0 =	sand.u32 $0x50, s0  }
0x143: {  	s0 =	sor.u32 s0, s31;
	[tilespmem:s26+$0x0] =	vst v0  }
0x144: {  	v0 =	vld [tilespmem:s0+$0x0];
	_ =	sdelay $0x4  }
0x145: {  	(erf) = vrcp.f32 v0;
	_ =	sdelay $0x4  }
0x146: {  	v0 =	vld [tilespmem:s26+$0x10];
	_ =	sdelay $0x3  }
0x147: {  	v1 =	vpop (erf)  }
0x148: {  	s0 =	sadd.s32 $0xFFFFFFF0, s28;
	v0 =	vmul.f32 v1, v0  }
0x149: {  	s0 =	sand.u32 $0x60, s0  }
0x14a: {  	s0 =	sor.u32 s0, s31;
	[tilespmem:s26+$0x10] =	vst v0  }
0x14b: {  	v0 =	vld [tilespmem:s0+$0x0];
	_ =	sdelay $0x4  }
0x14c: {  	(erf) = vrcp.f32 v0;
	_ =	sdelay $0x4  }
0x14d: {  	v0 =	vld [tilespmem:s26+$0x20];
	_ =	sdelay $0x3  }
0x14e: {  	v1 =	vpop (erf)  }
0x14f: {  	v0 =	vmul.f32 v1, v0  }
0x150: {  	s0 =	sand.u32 $0x70, s28  }
0x151: {  	s0 =	sor.u32 s0, s31;
	[tilespmem:s26+$0x20] =	vst v0  }
0x152: {  	v0 =	vld [tilespmem:s0+$0x0];
	_ =	sdelay $0x4  }
0x153: {  	(erf) = vrcp.f32 v0;
	_ =	sdelay $0x3  }
.Ltmp7:
0x154: {  	(pc) =	sbr.rel @p1 .LBB2_10-.Ltmp7, $2  }
0x155: {  	v0 =	vld [tilespmem:s26+$0x30];
	_ =	sdelay $0x2  }
0x156: {  	s30 =	sadd.s32 $0x100, s30  }
0x157: {  	v1 =	vpop (erf)  }
0x158: {  	v0 =	vmul.f32 v1, v0;
	_ =	sdelay $0x1  }
.Ltmp8:
0x159: {  	s0 =	rddreg [dreg:$0x4];
	[tilespmem:s26+$0x30] =	vst v0;
	(pc) =	sbr.rel .LBB2_13-.Ltmp8, $4  }
0x15a: {  	[hbm4b:s0+s3] =	stream.linear.scatter [tilespmem:s3], [sflag:$0x2], $0x2800, $0x38;
	[tilespmem:$0x7F80] =	vst v63  }
0x15b: {  	_ =	swait.ge [sflag:s15], $0x2800  }
0x15c: {  	[sflag:s15] =	ssyncset.done $0x0  }
0x15d: {  	[sflag:s15] =	ssyncadd.s32 $0xFFFFD800  }
.LBB2_14:
0x15e: {  	_ =	sfence.sel $0x180000  }
0x15f: {  	[bflag:$0x0] =	sbarrier.arrive $0xFFFF  }
0x160: {  	_ =	strace $0x9000004A  }
0x161: {  	s0 =	stileid.u32;
	[bflag:$0x2] =	sbarrier.arrive $0xFFFF  }
0x162: {  	p0 =	sne.s32 s0, $0x0;
	s0 =	rddreg [dreg:$0x3]  }
0x163: {  	s0 =	sadd.s32 @!p0 $0x100000, s0  }
0x164: {  	[sflag:s0] =	ssyncadd.tile.s32 @!p0 $0x1;
	_ =	shalt  }
.Lfunc_end2:
_tile_overlayer_lowered:
.L_overlay_start_2:
0x165: {  	(tag) =	ssettag $0x2  }
0x166: {  	s0 =	rddreg [dreg:$0x0];
	s2 =	stileid.u32  }
0x167: {  	s1 =	rddreg [dreg:$0x1];
	p0 =	sne.s32 s2, $0x0  }
0x168: {  	s3 =	rddreg [dreg:$0x2];
	[bflag:$0x3] =	sbarrier.arrive $0xFFFF;
	s2 =	simm.s32 @!p0 $0x1C02  }
0x169: {  	[timem:s3], [sflag:s2] =	dma.local @!p0 [hbm:s0], s1  }
0x16a: {  	s0 =	simm.s32 @!p0 $0x2  }
0x16b: {  	_ =	swait.ge @!p0 [sflag:s0], s1  }
0x16c: {  	s1 =	ssub.s32 @!p0 $0x0, s1;
	[sflag:s0] =	ssyncset.done @!p0 $0x0  }
0x16d: {  	[sflag:s0] =	ssyncadd.s32 @!p0 s1  }
0x16e: {  	[bflag:$0x3] =	sbarrier.arrive $0xFFFF  }
0x16f: {  	_ =	shalt  }

</sc_bundles>
